<compile_context>
chip_gen: v7x
topology: tpu7x:2x2x1
jax: 0.10.2.dev20260603
libtpu: 0.0.44.dev20260713+nightly
codegen_flags: <defaults>
</compile_context>

<pallas_src>
import functools

import jax
import jax.numpy as jnp
from jax import lax
from jax.experimental import pallas as pl
from jax.experimental.pallas import tpu as pltpu
from jax.experimental.pallas import tpu_sc as plsc

EMBED = 128
NC = 2
NS = 16
NW = NC * NS
CHUNK = 64


NBUF = 10
LOOKAHEAD = 8


@functools.partial(jax.jit, static_argnames=("n_chunk",))
def _gather(idx, table, n_chunk):
    mesh = plsc.VectorSubcoreMesh(core_axis_name="c", subcore_axis_name="s")

    @functools.partial(
        pl.kernel,
        out_type=jax.ShapeDtypeStruct((NW * n_chunk * CHUNK, EMBED), jnp.float32),
        mesh=mesh,
        scratch_types=[
            pltpu.VMEM((n_chunk, CHUNK), jnp.int32),
            [pltpu.VMEM((CHUNK, EMBED), jnp.float32) for _ in range(NBUF)],
            [pltpu.SemaphoreType.DMA for _ in range(NBUF)],
            [pltpu.SemaphoreType.DMA for _ in range(NBUF)],
        ],
    )
    def body(idx_hbm, table_hbm, out_hbm, idx_v, rows, gsem, osem):
        wid = lax.axis_index("s") * NC + lax.axis_index("c")
        base = wid * (n_chunk * CHUNK)
        pltpu.sync_copy(idx_hbm.at[wid], idx_v)

        def fire_gather(j, b):
            pltpu.async_copy(table_hbm.at[idx_v.at[j]], rows[b], gsem[b])

        def wait_gather(b):
            pltpu.make_async_copy(table_hbm.at[idx_v.at[0]], rows[b], gsem[b]).wait()

        def fire_store(j, b):
            pltpu.async_copy(rows[b], out_hbm.at[pl.ds(base + j * CHUNK, CHUNK)], osem[b])

        def wait_store(b):
            pltpu.make_async_copy(rows[b], out_hbm.at[pl.ds(base, CHUNK)], osem[b]).wait()

        for b in range(LOOKAHEAD):
            fire_gather(b, b)

        @pl.loop(0, n_chunk, step=NBUF)
        def _(j0):
            for b in range(NBUF):
                j = j0 + b
                wait_gather(b)
                fire_store(j, b)
                b2 = (b + LOOKAHEAD) % NBUF

                @pl.when((j >= NBUF - LOOKAHEAD) & (j + LOOKAHEAD < n_chunk))
                def _():
                    wait_store(b2)

                @pl.when(j + LOOKAHEAD < n_chunk)
                def _():
                    fire_gather(j + LOOKAHEAD, b2)

        for b in range(NBUF):
            wait_store(b)

    return body(idx, table)


def kernel(sequence, table):
    b, l = sequence.shape
    total = b * l
    n_chunk = total // (NW * CHUNK)
    idx = sequence.reshape(NW, n_chunk, CHUNK).astype(jnp.int32)
    out = _gather(idx, table, n_chunk)
    return out.reshape(b, l, EMBED)

# --- scband reference (transcript-rebuilt; emitter-appended) ---
"""Pipeline reference for scband-bertembedding-28982439313714 (READ-ONLY COPY).

The authoritative reference and input builder live on the scoring server;
editing this copy changes nothing except your own understanding.
"""

import jax, jax.numpy as jnp
import numpy as np

VOCAB = 100000
EMBED = 128
BATCH = 1024
SEQLEN = 200


def setup_inputs(seed: int = 0) -> dict:
    key = jax.random.key(seed)
    k_idx, k_tab = jax.random.split(key)
    sequence = jax.random.randint(k_idx, (BATCH, SEQLEN), 0, VOCAB, dtype=jnp.int64 if jax.config.jax_enable_x64 else jnp.int32)
    # weights_matrix loaded into nn.Embedding(vocab, embed, padding_idx=0)
    table = jax.random.normal(k_tab, (VOCAB, EMBED), dtype=jnp.float32) * 0.02
    # padding_idx=0 row conventionally zero
    table = table.at[0].set(0.0)
    return {"sequence": sequence, "table": table}


def reference(sequence, table):
    # TokenEmbedding: gather rows of the embedding table
    x = jnp.take(table, sequence, axis=0)  # [B, L, EMBED]
    # nn.Dropout is identity at inference time
    return x

if __name__ == "__main__":
    import jax
    _d = setup_inputs()
    print(jax.jit(kernel)(*tuple(_d.values())))

</pallas_src>

<mosaic_0001>
#map = affine_map<(d0, d1) -> (0, 0, 0)>
#map1 = affine_map<(d0, d1) -> (0, 0)>
module attributes {stable_mosaic.version = 14 : i64} {
  func.func @body(%arg0: i32, %arg1: i32, %arg2: memref<32x100x64xi32, #tpu.memory_space<hbm>>, %arg3: memref<100000x128xf32, #tpu.memory_space<hbm>>, %arg4: memref<204800x128xf32, #tpu.memory_space<hbm>>, %arg5: memref<100x64xi32, #tpu.memory_space<vmem>>, %arg6: memref<64x128xf32, #tpu.memory_space<vmem>>, %arg7: memref<64x128xf32, #tpu.memory_space<vmem>>, %arg8: memref<64x128xf32, #tpu.memory_space<vmem>>, %arg9: memref<64x128xf32, #tpu.memory_space<vmem>>, %arg10: memref<64x128xf32, #tpu.memory_space<vmem>>, %arg11: memref<64x128xf32, #tpu.memory_space<vmem>>, %arg12: memref<64x128xf32, #tpu.memory_space<vmem>>, %arg13: memref<64x128xf32, #tpu.memory_space<vmem>>, %arg14: memref<64x128xf32, #tpu.memory_space<vmem>>, %arg15: memref<64x128xf32, #tpu.memory_space<vmem>>, %arg16: memref<!tpu.dma_semaphore, #tpu.memory_space<semaphore_mem>>, %arg17: memref<!tpu.dma_semaphore, #tpu.memory_space<semaphore_mem>>, %arg18: memref<!tpu.dma_semaphore, #tpu.memory_space<semaphore_mem>>, %arg19: memref<!tpu.dma_semaphore, #tpu.memory_space<semaphore_mem>>, %arg20: memref<!tpu.dma_semaphore, #tpu.memory_space<semaphore_mem>>, %arg21: memref<!tpu.dma_semaphore, #tpu.memory_space<semaphore_mem>>, %arg22: memref<!tpu.dma_semaphore, #tpu.memory_space<semaphore_mem>>, %arg23: memref<!tpu.dma_semaphore, #tpu.memory_space<semaphore_mem>>, %arg24: memref<!tpu.dma_semaphore, #tpu.memory_space<semaphore_mem>>, %arg25: memref<!tpu.dma_semaphore, #tpu.memory_space<semaphore_mem>>, %arg26: memref<!tpu.dma_semaphore, #tpu.memory_space<semaphore_mem>>, %arg27: memref<!tpu.dma_semaphore, #tpu.memory_space<semaphore_mem>>, %arg28: memref<!tpu.dma_semaphore, #tpu.memory_space<semaphore_mem>>, %arg29: memref<!tpu.dma_semaphore, #tpu.memory_space<semaphore_mem>>, %arg30: memref<!tpu.dma_semaphore, #tpu.memory_space<semaphore_mem>>, %arg31: memref<!tpu.dma_semaphore, #tpu.memory_space<semaphore_mem>>, %arg32: memref<!tpu.dma_semaphore, #tpu.memory_space<semaphore_mem>>, %arg33: memref<!tpu.dma_semaphore, #tpu.memory_space<semaphore_mem>>, %arg34: memref<!tpu.dma_semaphore, #tpu.memory_space<semaphore_mem>>, %arg35: memref<!tpu.dma_semaphore, #tpu.memory_space<semaphore_mem>>) attributes {dimension_semantics = [#tpu.dimension_semantics<core_parallel>, #tpu.dimension_semantics<subcore_parallel>], iteration_bounds = array<i64: 2, 16>, scalar_prefetch = 0 : i64, scratch_operands = 31 : i64, tpu.core_type = #tpu.core_type<sc_vector_subcore>, window_params = [{transform_indices = #map}, {transform_indices = #map1}, {transform_indices = #map1}]} {
    %mul3A = arith.constant 2 : i32
    %mul3A_0 = arith.muli %arg1, %mul3A : i32
    %add3A = arith.addi %mul3A_0, %arg0 : i32
    %mul3A_1 = arith.constant 6400 : i32
    %mul3A_2 = arith.muli %add3A, %mul3A_1 : i32
    "tpu.region"() ({
      %run_scoped3A = tpu.sem_alloc : memref<!tpu.dma_semaphore, #tpu.memory_space<semaphore_mem>>
      %dma_start3A_101 = arith.constant 0 : i32
      %dma_start3A_102 = arith.constant 0 : i32
      %dma_start3A_103 = tpu.memref_slice %arg2[%add3A, %dma_start3A_101, %dma_start3A_102] : memref<32x100x64xi32, #tpu.memory_space<hbm>> -> memref<1x100x64xi32, #tpu.memory_space<hbm>>
      %dma_start3A_104 = tpu.memref_squeeze %dma_start3A_103 : memref<1x100x64xi32, #tpu.memory_space<hbm>> -> memref<100x64xi32, #tpu.memory_space<hbm>>
      %dma_start3A_105 = arith.constant 0 : i32
      %dma_start3A_106 = arith.constant 0 : i32
      %dma_start3A_107 = tpu.memref_slice %arg2[%add3A, %dma_start3A_105, %dma_start3A_106] : memref<32x100x64xi32, #tpu.memory_space<hbm>> -> memref<1x100x64xi32, #tpu.memory_space<hbm>>
      %dma_start3A_108 = tpu.memref_squeeze %dma_start3A_107 : memref<1x100x64xi32, #tpu.memory_space<hbm>> -> memref<100x64xi32, #tpu.memory_space<hbm>>
      tpu.enqueue_dma source(%dma_start3A_108 : memref<100x64xi32, #tpu.memory_space<hbm>>) target(%arg5 : memref<100x64xi32, #tpu.memory_space<vmem>>) target_semaphore(%run_scoped3A : memref<!tpu.dma_semaphore, #tpu.memory_space<semaphore_mem>>)
      %dma_wait3A_109 = arith.constant 0 : i32
      %dma_wait3A_110 = arith.constant 0 : i32
      %dma_wait3A_111 = tpu.memref_slice %arg2[%add3A, %dma_wait3A_109, %dma_wait3A_110] : memref<32x100x64xi32, #tpu.memory_space<hbm>> -> memref<1x100x64xi32, #tpu.memory_space<hbm>>
      %dma_wait3A_112 = tpu.memref_squeeze %dma_wait3A_111 : memref<1x100x64xi32, #tpu.memory_space<hbm>> -> memref<100x64xi32, #tpu.memory_space<hbm>>
      %dma_wait3A_113 = arith.constant 0 : i32
      %dma_wait3A_114 = arith.constant 0 : i32
      %dma_wait3A_115 = tpu.memref_slice %arg2[%add3A, %dma_wait3A_113, %dma_wait3A_114] : memref<32x100x64xi32, #tpu.memory_space<hbm>> -> memref<1x100x64xi32, #tpu.memory_space<hbm>>
      %dma_wait3A_116 = tpu.memref_squeeze %dma_wait3A_115 : memref<1x100x64xi32, #tpu.memory_space<hbm>> -> memref<100x64xi32, #tpu.memory_space<hbm>>
      tpu.wait_dma2 semaphore(%run_scoped3A : memref<!tpu.dma_semaphore, #tpu.memory_space<semaphore_mem>>) src(%dma_wait3A_116 : memref<100x64xi32, #tpu.memory_space<hbm>>) dst(%arg5 : memref<100x64xi32, #tpu.memory_space<vmem>>)
      tpu.yield
    }) : () -> ()
    %dma_start3A = arith.constant 0 : i32
    %dma_start3A_3 = arith.constant 0 : i32
    %dma_start3A_4 = tpu.memref_slice %arg5[%dma_start3A, %dma_start3A_3] : memref<100x64xi32, #tpu.memory_space<vmem>> -> memref<1x64xi32, #tpu.memory_space<vmem>>
    %dma_start3A_5 = tpu.memref_squeeze %dma_start3A_4 : memref<1x64xi32, #tpu.memory_space<vmem>> -> memref<64xi32, #tpu.memory_space<vmem>>
    %dma_start3A_6 = arith.constant 0 : i32
    %dma_start3A_7 = arith.constant 0 : i32
    %dma_start3A_8 = tpu.memref_slice %arg3[%dma_start3A_6, %dma_start3A_7] : memref<100000x128xf32, #tpu.memory_space<hbm>> -> memref<100000x128xf32, #tpu.memory_space<hbm>>
    tpu.enqueue_indirect_dma source(%dma_start3A_8 : memref<100000x128xf32, #tpu.memory_space<hbm>>) target(%arg6 : memref<64x128xf32, #tpu.memory_space<vmem>>) offsets(%dma_start3A_5 : memref<64xi32, #tpu.memory_space<vmem>>) semaphore(%arg16 : memref<!tpu.dma_semaphore, #tpu.memory_space<semaphore_mem>>)
    %dma_start3A_9 = arith.constant 1 : i32
    %dma_start3A_10 = arith.constant 0 : i32
    %dma_start3A_11 = tpu.memref_slice %arg5[%dma_start3A_9, %dma_start3A_10] : memref<100x64xi32, #tpu.memory_space<vmem>> -> memref<1x64xi32, #tpu.memory_space<vmem>>
    %dma_start3A_12 = tpu.memref_squeeze %dma_start3A_11 : memref<1x64xi32, #tpu.memory_space<vmem>> -> memref<64xi32, #tpu.memory_space<vmem>>
    %dma_start3A_13 = arith.constant 0 : i32
    %dma_start3A_14 = arith.constant 0 : i32
    %dma_start3A_15 = tpu.memref_slice %arg3[%dma_start3A_13, %dma_start3A_14] : memref<100000x128xf32, #tpu.memory_space<hbm>> -> memref<100000x128xf32, #tpu.memory_space<hbm>>
    tpu.enqueue_indirect_dma source(%dma_start3A_15 : memref<100000x128xf32, #tpu.memory_space<hbm>>) target(%arg7 : memref<64x128xf32, #tpu.memory_space<vmem>>) offsets(%dma_start3A_12 : memref<64xi32, #tpu.memory_space<vmem>>) semaphore(%arg17 : memref<!tpu.dma_semaphore, #tpu.memory_space<semaphore_mem>>)
    %dma_start3A_16 = arith.constant 2 : i32
    %dma_start3A_17 = arith.constant 0 : i32
    %dma_start3A_18 = tpu.memref_slice %arg5[%dma_start3A_16, %dma_start3A_17] : memref<100x64xi32, #tpu.memory_space<vmem>> -> memref<1x64xi32, #tpu.memory_space<vmem>>
    %dma_start3A_19 = tpu.memref_squeeze %dma_start3A_18 : memref<1x64xi32, #tpu.memory_space<vmem>> -> memref<64xi32, #tpu.memory_space<vmem>>
    %dma_start3A_20 = arith.constant 0 : i32
    %dma_start3A_21 = arith.constant 0 : i32
    %dma_start3A_22 = tpu.memref_slice %arg3[%dma_start3A_20, %dma_start3A_21] : memref<100000x128xf32, #tpu.memory_space<hbm>> -> memref<100000x128xf32, #tpu.memory_space<hbm>>
    tpu.enqueue_indirect_dma source(%dma_start3A_22 : memref<100000x128xf32, #tpu.memory_space<hbm>>) target(%arg8 : memref<64x128xf32, #tpu.memory_space<vmem>>) offsets(%dma_start3A_19 : memref<64xi32, #tpu.memory_space<vmem>>) semaphore(%arg18 : memref<!tpu.dma_semaphore, #tpu.memory_space<semaphore_mem>>)
    %dma_start3A_23 = arith.constant 3 : i32
    %dma_start3A_24 = arith.constant 0 : i32
    %dma_start3A_25 = tpu.memref_slice %arg5[%dma_start3A_23, %dma_start3A_24] : memref<100x64xi32, #tpu.memory_space<vmem>> -> memref<1x64xi32, #tpu.memory_space<vmem>>
    %dma_start3A_26 = tpu.memref_squeeze %dma_start3A_25 : memref<1x64xi32, #tpu.memory_space<vmem>> -> memref<64xi32, #tpu.memory_space<vmem>>
    %dma_start3A_27 = arith.constant 0 : i32
    %dma_start3A_28 = arith.constant 0 : i32
    %dma_start3A_29 = tpu.memref_slice %arg3[%dma_start3A_27, %dma_start3A_28] : memref<100000x128xf32, #tpu.memory_space<hbm>> -> memref<100000x128xf32, #tpu.memory_space<hbm>>
    tpu.enqueue_indirect_dma source(%dma_start3A_29 : memref<100000x128xf32, #tpu.memory_space<hbm>>) target(%arg9 : memref<64x128xf32, #tpu.memory_space<vmem>>) offsets(%dma_start3A_26 : memref<64xi32, #tpu.memory_space<vmem>>) semaphore(%arg19 : memref<!tpu.dma_semaphore, #tpu.memory_space<semaphore_mem>>)
    %dma_start3A_30 = arith.constant 4 : i32
    %dma_start3A_31 = arith.constant 0 : i32
    %dma_start3A_32 = tpu.memref_slice %arg5[%dma_start3A_30, %dma_start3A_31] : memref<100x64xi32, #tpu.memory_space<vmem>> -> memref<1x64xi32, #tpu.memory_space<vmem>>
    %dma_start3A_33 = tpu.memref_squeeze %dma_start3A_32 : memref<1x64xi32, #tpu.memory_space<vmem>> -> memref<64xi32, #tpu.memory_space<vmem>>
    %dma_start3A_34 = arith.constant 0 : i32
    %dma_start3A_35 = arith.constant 0 : i32
    %dma_start3A_36 = tpu.memref_slice %arg3[%dma_start3A_34, %dma_start3A_35] : memref<100000x128xf32, #tpu.memory_space<hbm>> -> memref<100000x128xf32, #tpu.memory_space<hbm>>
    tpu.enqueue_indirect_dma source(%dma_start3A_36 : memref<100000x128xf32, #tpu.memory_space<hbm>>) target(%arg10 : memref<64x128xf32, #tpu.memory_space<vmem>>) offsets(%dma_start3A_33 : memref<64xi32, #tpu.memory_space<vmem>>) semaphore(%arg20 : memref<!tpu.dma_semaphore, #tpu.memory_space<semaphore_mem>>)
    %dma_start3A_37 = arith.constant 5 : i32
    %dma_start3A_38 = arith.constant 0 : i32
    %dma_start3A_39 = tpu.memref_slice %arg5[%dma_start3A_37, %dma_start3A_38] : memref<100x64xi32, #tpu.memory_space<vmem>> -> memref<1x64xi32, #tpu.memory_space<vmem>>
    %dma_start3A_40 = tpu.memref_squeeze %dma_start3A_39 : memref<1x64xi32, #tpu.memory_space<vmem>> -> memref<64xi32, #tpu.memory_space<vmem>>
    %dma_start3A_41 = arith.constant 0 : i32
    %dma_start3A_42 = arith.constant 0 : i32
    %dma_start3A_43 = tpu.memref_slice %arg3[%dma_start3A_41, %dma_start3A_42] : memref<100000x128xf32, #tpu.memory_space<hbm>> -> memref<100000x128xf32, #tpu.memory_space<hbm>>
    tpu.enqueue_indirect_dma source(%dma_start3A_43 : memref<100000x128xf32, #tpu.memory_space<hbm>>) target(%arg11 : memref<64x128xf32, #tpu.memory_space<vmem>>) offsets(%dma_start3A_40 : memref<64xi32, #tpu.memory_space<vmem>>) semaphore(%arg21 : memref<!tpu.dma_semaphore, #tpu.memory_space<semaphore_mem>>)
    %dma_start3A_44 = arith.constant 6 : i32
    %dma_start3A_45 = arith.constant 0 : i32
    %dma_start3A_46 = tpu.memref_slice %arg5[%dma_start3A_44, %dma_start3A_45] : memref<100x64xi32, #tpu.memory_space<vmem>> -> memref<1x64xi32, #tpu.memory_space<vmem>>
    %dma_start3A_47 = tpu.memref_squeeze %dma_start3A_46 : memref<1x64xi32, #tpu.memory_space<vmem>> -> memref<64xi32, #tpu.memory_space<vmem>>
    %dma_start3A_48 = arith.constant 0 : i32
    %dma_start3A_49 = arith.constant 0 : i32
    %dma_start3A_50 = tpu.memref_slice %arg3[%dma_start3A_48, %dma_start3A_49] : memref<100000x128xf32, #tpu.memory_space<hbm>> -> memref<100000x128xf32, #tpu.memory_space<hbm>>
    tpu.enqueue_indirect_dma source(%dma_start3A_50 : memref<100000x128xf32, #tpu.memory_space<hbm>>) target(%arg12 : memref<64x128xf32, #tpu.memory_space<vmem>>) offsets(%dma_start3A_47 : memref<64xi32, #tpu.memory_space<vmem>>) semaphore(%arg22 : memref<!tpu.dma_semaphore, #tpu.memory_space<semaphore_mem>>)
    %dma_start3A_51 = arith.constant 7 : i32
    %dma_start3A_52 = arith.constant 0 : i32
    %dma_start3A_53 = tpu.memref_slice %arg5[%dma_start3A_51, %dma_start3A_52] : memref<100x64xi32, #tpu.memory_space<vmem>> -> memref<1x64xi32, #tpu.memory_space<vmem>>
    %dma_start3A_54 = tpu.memref_squeeze %dma_start3A_53 : memref<1x64xi32, #tpu.memory_space<vmem>> -> memref<64xi32, #tpu.memory_space<vmem>>
    %dma_start3A_55 = arith.constant 0 : i32
    %dma_start3A_56 = arith.constant 0 : i32
    %dma_start3A_57 = tpu.memref_slice %arg3[%dma_start3A_55, %dma_start3A_56] : memref<100000x128xf32, #tpu.memory_space<hbm>> -> memref<100000x128xf32, #tpu.memory_space<hbm>>
    tpu.enqueue_indirect_dma source(%dma_start3A_57 : memref<100000x128xf32, #tpu.memory_space<hbm>>) target(%arg13 : memref<64x128xf32, #tpu.memory_space<vmem>>) offsets(%dma_start3A_54 : memref<64xi32, #tpu.memory_space<vmem>>) semaphore(%arg23 : memref<!tpu.dma_semaphore, #tpu.memory_space<semaphore_mem>>)
    %scan3A = arith.constant 0 : i32
    %scan3A_58 = arith.constant 10 : i32
    %scan3A_59 = arith.addi %scan3A, %scan3A_58 : i32
    %scan3A_60 = arith.constant 1 : i32
    scf.for %scan3A_101 = %scan3A to %scan3A_59 step %scan3A_60  : i32 {
      %mul3A_102 = arith.constant 10 : i32
      %mul3A_103 = arith.muli %scan3A_101, %mul3A_102 : i32
      %add3A_104 = arith.constant 0 : i32
      %add3A_105 = arith.addi %add3A_104, %mul3A_103 : i32
      %add3A_106 = arith.constant 0 : i32
      %add3A_107 = arith.addi %add3A_105, %add3A_106 : i32
      %dma_wait3A_108 = arith.constant 0 : i32
      %dma_wait3A_109 = arith.constant 0 : i32
      %dma_wait3A_110 = tpu.memref_slice %arg5[%dma_wait3A_108, %dma_wait3A_109] : memref<100x64xi32, #tpu.memory_space<vmem>> -> memref<1x64xi32, #tpu.memory_space<vmem>>
      %dma_wait3A_111 = tpu.memref_squeeze %dma_wait3A_110 : memref<1x64xi32, #tpu.memory_space<vmem>> -> memref<64xi32, #tpu.memory_space<vmem>>
      %dma_wait3A_112 = arith.constant 0 : i32
      %dma_wait3A_113 = arith.constant 0 : i32
      %dma_wait3A_114 = tpu.memref_slice %arg3[%dma_wait3A_112, %dma_wait3A_113] : memref<100000x128xf32, #tpu.memory_space<hbm>> -> memref<100000x128xf32, #tpu.memory_space<hbm>>
      tpu.wait_indirect_dma semaphore(%arg16 : memref<!tpu.dma_semaphore, #tpu.memory_space<semaphore_mem>>) src(%dma_wait3A_114 : memref<100000x128xf32, #tpu.memory_space<hbm>>) dst(%arg6 : memref<64x128xf32, #tpu.memory_space<vmem>>)
      %mul3A_115 = arith.constant 64 : i32
      %mul3A_116 = arith.muli %add3A_107, %mul3A_115 : i32
      %add3A_117 = arith.addi %mul3A_2, %mul3A_116 : i32
      %dma_start3A_118 = arith.constant 0 : i32
      %dma_start3A_119 = tpu.memref_slice %arg4[%add3A_117, %dma_start3A_118] : memref<204800x128xf32, #tpu.memory_space<hbm>> -> memref<64x128xf32, #tpu.memory_space<hbm>>
      %dma_start3A_120 = arith.constant 0 : i32
      %dma_start3A_121 = tpu.memref_slice %arg4[%add3A_117, %dma_start3A_120] : memref<204800x128xf32, #tpu.memory_space<hbm>> -> memref<64x128xf32, #tpu.memory_space<hbm>>
      tpu.enqueue_dma source(%arg6 : memref<64x128xf32, #tpu.memory_space<vmem>>) target(%dma_start3A_121 : memref<64x128xf32, #tpu.memory_space<hbm>>) target_semaphore(%arg26 : memref<!tpu.dma_semaphore, #tpu.memory_space<semaphore_mem>>)
      %ge3A = arith.constant 2 : i32
      %ge3A_122 = arith.cmpi sge, %add3A_107, %ge3A : i32
      %add3A_123 = arith.constant 8 : i32
      %add3A_124 = arith.addi %add3A_107, %add3A_123 : i32
      %lt3A = arith.constant 100 : i32
      %lt3A_125 = arith.cmpi slt, %add3A_124, %lt3A : i32
      %and3A = arith.andi %ge3A_122, %lt3A_125 : i1
      %convert_element_type3A = arith.extui %and3A : i1 to i32
      %cond3A = arith.constant 0 : i32
      %cond3A_126 = arith.cmpi ne, %convert_element_type3A, %cond3A : i32
      scf.if %cond3A_126 {
        %dma_wait3A_431 = arith.constant 0 : i32
        %dma_wait3A_432 = tpu.memref_slice %arg4[%mul3A_2, %dma_wait3A_431] : memref<204800x128xf32, #tpu.memory_space<hbm>> -> memref<64x128xf32, #tpu.memory_space<hbm>>
        %dma_wait3A_433 = arith.constant 0 : i32
        %dma_wait3A_434 = tpu.memref_slice %arg4[%mul3A_2, %dma_wait3A_433] : memref<204800x128xf32, #tpu.memory_space<hbm>> -> memref<64x128xf32, #tpu.memory_space<hbm>>
        tpu.wait_dma2 semaphore(%arg34 : memref<!tpu.dma_semaphore, #tpu.memory_space<semaphore_mem>>) src(%arg14 : memref<64x128xf32, #tpu.memory_space<vmem>>) dst(%dma_wait3A_434 : memref<64x128xf32, #tpu.memory_space<hbm>>)
      } else {
      }
      %add3A_127 = arith.constant 8 : i32
      %add3A_128 = arith.addi %add3A_107, %add3A_127 : i32
      %lt3A_129 = arith.constant 100 : i32
      %lt3A_130 = arith.cmpi slt, %add3A_128, %lt3A_129 : i32
      %convert_element_type3A_131 = arith.extui %lt3A_130 : i1 to i32
      %cond3A_132 = arith.constant 0 : i32
      %cond3A_133 = arith.cmpi ne, %convert_element_type3A_131, %cond3A_132 : i32
      scf.if %cond3A_133 {
        %add3A_431 = arith.constant 8 : i32
        %add3A_432 = arith.addi %add3A_107, %add3A_431 : i32
        %dma_start3A_433 = arith.constant 0 : i32
        %dma_start3A_434 = tpu.memref_slice %arg5[%add3A_432, %dma_start3A_433] : memref<100x64xi32, #tpu.memory_space<vmem>> -> memref<1x64xi32, #tpu.memory_space<vmem>>
        %dma_start3A_435 = tpu.memref_squeeze %dma_start3A_434 : memref<1x64xi32, #tpu.memory_space<vmem>> -> memref<64xi32, #tpu.memory_space<vmem>>
        %dma_start3A_436 = arith.constant 0 : i32
        %dma_start3A_437 = arith.constant 0 : i32
        %dma_start3A_438 = tpu.memref_slice %arg3[%dma_start3A_436, %dma_start3A_437] : memref<100000x128xf32, #tpu.memory_space<hbm>> -> memref<100000x128xf32, #tpu.memory_space<hbm>>
        tpu.enqueue_indirect_dma source(%dma_start3A_438 : memref<100000x128xf32, #tpu.memory_space<hbm>>) target(%arg14 : memref<64x128xf32, #tpu.memory_space<vmem>>) offsets(%dma_start3A_435 : memref<64xi32, #tpu.memory_space<vmem>>) semaphore(%arg24 : memref<!tpu.dma_semaphore, #tpu.memory_space<semaphore_mem>>)
      } else {
      }
      %add3A_134 = arith.constant 1 : i32
      %add3A_135 = arith.addi %add3A_105, %add3A_134 : i32
      %dma_wait3A_136 = arith.constant 0 : i32
      %dma_wait3A_137 = arith.constant 0 : i32
      %dma_wait3A_138 = tpu.memref_slice %arg5[%dma_wait3A_136, %dma_wait3A_137] : memref<100x64xi32, #tpu.memory_space<vmem>> -> memref<1x64xi32, #tpu.memory_space<vmem>>
      %dma_wait3A_139 = tpu.memref_squeeze %dma_wait3A_138 : memref<1x64xi32, #tpu.memory_space<vmem>> -> memref<64xi32, #tpu.memory_space<vmem>>
      %dma_wait3A_140 = arith.constant 0 : i32
      %dma_wait3A_141 = arith.constant 0 : i32
      %dma_wait3A_142 = tpu.memref_slice %arg3[%dma_wait3A_140, %dma_wait3A_141] : memref<100000x128xf32, #tpu.memory_space<hbm>> -> memref<100000x128xf32, #tpu.memory_space<hbm>>
      tpu.wait_indirect_dma semaphore(%arg17 : memref<!tpu.dma_semaphore, #tpu.memory_space<semaphore_mem>>) src(%dma_wait3A_142 : memref<100000x128xf32, #tpu.memory_space<hbm>>) dst(%arg7 : memref<64x128xf32, #tpu.memory_space<vmem>>)
      %mul3A_143 = arith.constant 64 : i32
      %mul3A_144 = arith.muli %add3A_135, %mul3A_143 : i32
      %add3A_145 = arith.addi %mul3A_2, %mul3A_144 : i32
      %dma_start3A_146 = arith.constant 0 : i32
      %dma_start3A_147 = tpu.memref_slice %arg4[%add3A_145, %dma_start3A_146] : memref<204800x128xf32, #tpu.memory_space<hbm>> -> memref<64x128xf32, #tpu.memory_space<hbm>>
      %dma_start3A_148 = arith.constant 0 : i32
      %dma_start3A_149 = tpu.memref_slice %arg4[%add3A_145, %dma_start3A_148] : memref<204800x128xf32, #tpu.memory_space<hbm>> -> memref<64x128xf32, #tpu.memory_space<hbm>>
      tpu.enqueue_dma source(%arg7 : memref<64x128xf32, #tpu.memory_space<vmem>>) target(%dma_start3A_149 : memref<64x128xf32, #tpu.memory_space<hbm>>) target_semaphore(%arg27 : memref<!tpu.dma_semaphore, #tpu.memory_space<semaphore_mem>>)
      %ge3A_150 = arith.constant 2 : i32
      %ge3A_151 = arith.cmpi sge, %add3A_135, %ge3A_150 : i32
      %add3A_152 = arith.constant 8 : i32
      %add3A_153 = arith.addi %add3A_135, %add3A_152 : i32
      %lt3A_154 = arith.constant 100 : i32
      %lt3A_155 = arith.cmpi slt, %add3A_153, %lt3A_154 : i32
      %and3A_156 = arith.andi %ge3A_151, %lt3A_155 : i1
      %convert_element_type3A_157 = arith.extui %and3A_156 : i1 to i32
      %cond3A_158 = arith.constant 0 : i32
      %cond3A_159 = arith.cmpi ne, %convert_element_type3A_157, %cond3A_158 : i32
      scf.if %cond3A_159 {
        %dma_wait3A_431 = arith.constant 0 : i32
        %dma_wait3A_432 = tpu.memref_slice %arg4[%mul3A_2, %dma_wait3A_431] : memref<204800x128xf32, #tpu.memory_space<hbm>> -> memref<64x128xf32, #tpu.memory_space<hbm>>
        %dma_wait3A_433 = arith.constant 0 : i32
        %dma_wait3A_434 = tpu.memref_slice %arg4[%mul3A_2, %dma_wait3A_433] : memref<204800x128xf32, #tpu.memory_space<hbm>> -> memref<64x128xf32, #tpu.memory_space<hbm>>
        tpu.wait_dma2 semaphore(%arg35 : memref<!tpu.dma_semaphore, #tpu.memory_space<semaphore_mem>>) src(%arg15 : memref<64x128xf32, #tpu.memory_space<vmem>>) dst(%dma_wait3A_434 : memref<64x128xf32, #tpu.memory_space<hbm>>)
      } else {
      }
      %add3A_160 = arith.constant 8 : i32
      %add3A_161 = arith.addi %add3A_135, %add3A_160 : i32
      %lt3A_162 = arith.constant 100 : i32
      %lt3A_163 = arith.cmpi slt, %add3A_161, %lt3A_162 : i32
      %convert_element_type3A_164 = arith.extui %lt3A_163 : i1 to i32
      %cond3A_165 = arith.constant 0 : i32
      %cond3A_166 = arith.cmpi ne, %convert_element_type3A_164, %cond3A_165 : i32
      scf.if %cond3A_166 {
        %add3A_431 = arith.constant 8 : i32
        %add3A_432 = arith.addi %add3A_135, %add3A_431 : i32
        %dma_start3A_433 = arith.constant 0 : i32
        %dma_start3A_434 = tpu.memref_slice %arg5[%add3A_432, %dma_start3A_433] : memref<100x64xi32, #tpu.memory_space<vmem>> -> memref<1x64xi32, #tpu.memory_space<vmem>>
        %dma_start3A_435 = tpu.memref_squeeze %dma_start3A_434 : memref<1x64xi32, #tpu.memory_space<vmem>> -> memref<64xi32, #tpu.memory_space<vmem>>
        %dma_start3A_436 = arith.constant 0 : i32
        %dma_start3A_437 = arith.constant 0 : i32
        %dma_start3A_438 = tpu.memref_slice %arg3[%dma_start3A_436, %dma_start3A_437] : memref<100000x128xf32, #tpu.memory_space<hbm>> -> memref<100000x128xf32, #tpu.memory_space<hbm>>
        tpu.enqueue_indirect_dma source(%dma_start3A_438 : memref<100000x128xf32, #tpu.memory_space<hbm>>) target(%arg15 : memref<64x128xf32, #tpu.memory_space<vmem>>) offsets(%dma_start3A_435 : memref<64xi32, #tpu.memory_space<vmem>>) semaphore(%arg25 : memref<!tpu.dma_semaphore, #tpu.memory_space<semaphore_mem>>)
      } else {
      }
      %add3A_167 = arith.constant 2 : i32
      %add3A_168 = arith.addi %add3A_105, %add3A_167 : i32
      %dma_wait3A_169 = arith.constant 0 : i32
      %dma_wait3A_170 = arith.constant 0 : i32
      %dma_wait3A_171 = tpu.memref_slice %arg5[%dma_wait3A_169, %dma_wait3A_170] : memref<100x64xi32, #tpu.memory_space<vmem>> -> memref<1x64xi32, #tpu.memory_space<vmem>>
      %dma_wait3A_172 = tpu.memref_squeeze %dma_wait3A_171 : memref<1x64xi32, #tpu.memory_space<vmem>> -> memref<64xi32, #tpu.memory_space<vmem>>
      %dma_wait3A_173 = arith.constant 0 : i32
      %dma_wait3A_174 = arith.constant 0 : i32
      %dma_wait3A_175 = tpu.memref_slice %arg3[%dma_wait3A_173, %dma_wait3A_174] : memref<100000x128xf32, #tpu.memory_space<hbm>> -> memref<100000x128xf32, #tpu.memory_space<hbm>>
      tpu.wait_indirect_dma semaphore(%arg18 : memref<!tpu.dma_semaphore, #tpu.memory_space<semaphore_mem>>) src(%dma_wait3A_175 : memref<100000x128xf32, #tpu.memory_space<hbm>>) dst(%arg8 : memref<64x128xf32, #tpu.memory_space<vmem>>)
      %mul3A_176 = arith.constant 64 : i32
      %mul3A_177 = arith.muli %add3A_168, %mul3A_176 : i32
      %add3A_178 = arith.addi %mul3A_2, %mul3A_177 : i32
      %dma_start3A_179 = arith.constant 0 : i32
      %dma_start3A_180 = tpu.memref_slice %arg4[%add3A_178, %dma_start3A_179] : memref<204800x128xf32, #tpu.memory_space<hbm>> -> memref<64x128xf32, #tpu.memory_space<hbm>>
      %dma_start3A_181 = arith.constant 0 : i32
      %dma_start3A_182 = tpu.memref_slice %arg4[%add3A_178, %dma_start3A_181] : memref<204800x128xf32, #tpu.memory_space<hbm>> -> memref<64x128xf32, #tpu.memory_space<hbm>>
      tpu.enqueue_dma source(%arg8 : memref<64x128xf32, #tpu.memory_space<vmem>>) target(%dma_start3A_182 : memref<64x128xf32, #tpu.memory_space<hbm>>) target_semaphore(%arg28 : memref<!tpu.dma_semaphore, #tpu.memory_space<semaphore_mem>>)
      %ge3A_183 = arith.constant 2 : i32
      %ge3A_184 = arith.cmpi sge, %add3A_168, %ge3A_183 : i32
      %add3A_185 = arith.constant 8 : i32
      %add3A_186 = arith.addi %add3A_168, %add3A_185 : i32
      %lt3A_187 = arith.constant 100 : i32
      %lt3A_188 = arith.cmpi slt, %add3A_186, %lt3A_187 : i32
      %and3A_189 = arith.andi %ge3A_184, %lt3A_188 : i1
      %convert_element_type3A_190 = arith.extui %and3A_189 : i1 to i32
      %cond3A_191 = arith.constant 0 : i32
      %cond3A_192 = arith.cmpi ne, %convert_element_type3A_190, %cond3A_191 : i32
      scf.if %cond3A_192 {
        %dma_wait3A_431 = arith.constant 0 : i32
        %dma_wait3A_432 = tpu.memref_slice %arg4[%mul3A_2, %dma_wait3A_431] : memref<204800x128xf32, #tpu.memory_space<hbm>> -> memref<64x128xf32, #tpu.memory_space<hbm>>
        %dma_wait3A_433 = arith.constant 0 : i32
        %dma_wait3A_434 = tpu.memref_slice %arg4[%mul3A_2, %dma_wait3A_433] : memref<204800x128xf32, #tpu.memory_space<hbm>> -> memref<64x128xf32, #tpu.memory_space<hbm>>
        tpu.wait_dma2 semaphore(%arg26 : memref<!tpu.dma_semaphore, #tpu.memory_space<semaphore_mem>>) src(%arg6 : memref<64x128xf32, #tpu.memory_space<vmem>>) dst(%dma_wait3A_434 : memref<64x128xf32, #tpu.memory_space<hbm>>)
      } else {
      }
      %add3A_193 = arith.constant 8 : i32
      %add3A_194 = arith.addi %add3A_168, %add3A_193 : i32
      %lt3A_195 = arith.constant 100 : i32
      %lt3A_196 = arith.cmpi slt, %add3A_194, %lt3A_195 : i32
      %convert_element_type3A_197 = arith.extui %lt3A_196 : i1 to i32
      %cond3A_198 = arith.constant 0 : i32
      %cond3A_199 = arith.cmpi ne, %convert_element_type3A_197, %cond3A_198 : i32
      scf.if %cond3A_199 {
        %add3A_431 = arith.constant 8 : i32
        %add3A_432 = arith.addi %add3A_168, %add3A_431 : i32
        %dma_start3A_433 = arith.constant 0 : i32
        %dma_start3A_434 = tpu.memref_slice %arg5[%add3A_432, %dma_start3A_433] : memref<100x64xi32, #tpu.memory_space<vmem>> -> memref<1x64xi32, #tpu.memory_space<vmem>>
        %dma_start3A_435 = tpu.memref_squeeze %dma_start3A_434 : memref<1x64xi32, #tpu.memory_space<vmem>> -> memref<64xi32, #tpu.memory_space<vmem>>
        %dma_start3A_436 = arith.constant 0 : i32
        %dma_start3A_437 = arith.constant 0 : i32
        %dma_start3A_438 = tpu.memref_slice %arg3[%dma_start3A_436, %dma_start3A_437] : memref<100000x128xf32, #tpu.memory_space<hbm>> -> memref<100000x128xf32, #tpu.memory_space<hbm>>
        tpu.enqueue_indirect_dma source(%dma_start3A_438 : memref<100000x128xf32, #tpu.memory_space<hbm>>) target(%arg6 : memref<64x128xf32, #tpu.memory_space<vmem>>) offsets(%dma_start3A_435 : memref<64xi32, #tpu.memory_space<vmem>>) semaphore(%arg16 : memref<!tpu.dma_semaphore, #tpu.memory_space<semaphore_mem>>)
      } else {
      }
      %add3A_200 = arith.constant 3 : i32
      %add3A_201 = arith.addi %add3A_105, %add3A_200 : i32
      %dma_wait3A_202 = arith.constant 0 : i32
      %dma_wait3A_203 = arith.constant 0 : i32
      %dma_wait3A_204 = tpu.memref_slice %arg5[%dma_wait3A_202, %dma_wait3A_203] : memref<100x64xi32, #tpu.memory_space<vmem>> -> memref<1x64xi32, #tpu.memory_space<vmem>>
      %dma_wait3A_205 = tpu.memref_squeeze %dma_wait3A_204 : memref<1x64xi32, #tpu.memory_space<vmem>> -> memref<64xi32, #tpu.memory_space<vmem>>
      %dma_wait3A_206 = arith.constant 0 : i32
      %dma_wait3A_207 = arith.constant 0 : i32
      %dma_wait3A_208 = tpu.memref_slice %arg3[%dma_wait3A_206, %dma_wait3A_207] : memref<100000x128xf32, #tpu.memory_space<hbm>> -> memref<100000x128xf32, #tpu.memory_space<hbm>>
      tpu.wait_indirect_dma semaphore(%arg19 : memref<!tpu.dma_semaphore, #tpu.memory_space<semaphore_mem>>) src(%dma_wait3A_208 : memref<100000x128xf32, #tpu.memory_space<hbm>>) dst(%arg9 : memref<64x128xf32, #tpu.memory_space<vmem>>)
      %mul3A_209 = arith.constant 64 : i32
      %mul3A_210 = arith.muli %add3A_201, %mul3A_209 : i32
      %add3A_211 = arith.addi %mul3A_2, %mul3A_210 : i32
      %dma_start3A_212 = arith.constant 0 : i32
      %dma_start3A_213 = tpu.memref_slice %arg4[%add3A_211, %dma_start3A_212] : memref<204800x128xf32, #tpu.memory_space<hbm>> -> memref<64x128xf32, #tpu.memory_space<hbm>>
      %dma_start3A_214 = arith.constant 0 : i32
      %dma_start3A_215 = tpu.memref_slice %arg4[%add3A_211, %dma_start3A_214] : memref<204800x128xf32, #tpu.memory_space<hbm>> -> memref<64x128xf32, #tpu.memory_space<hbm>>
      tpu.enqueue_dma source(%arg9 : memref<64x128xf32, #tpu.memory_space<vmem>>) target(%dma_start3A_215 : memref<64x128xf32, #tpu.memory_space<hbm>>) target_semaphore(%arg29 : memref<!tpu.dma_semaphore, #tpu.memory_space<semaphore_mem>>)
      %ge3A_216 = arith.constant 2 : i32
      %ge3A_217 = arith.cmpi sge, %add3A_201, %ge3A_216 : i32
      %add3A_218 = arith.constant 8 : i32
      %add3A_219 = arith.addi %add3A_201, %add3A_218 : i32
      %lt3A_220 = arith.constant 100 : i32
      %lt3A_221 = arith.cmpi slt, %add3A_219, %lt3A_220 : i32
      %and3A_222 = arith.andi %ge3A_217, %lt3A_221 : i1
      %convert_element_type3A_223 = arith.extui %and3A_222 : i1 to i32
      %cond3A_224 = arith.constant 0 : i32
      %cond3A_225 = arith.cmpi ne, %convert_element_type3A_223, %cond3A_224 : i32
      scf.if %cond3A_225 {
        %dma_wait3A_431 = arith.constant 0 : i32
        %dma_wait3A_432 = tpu.memref_slice %arg4[%mul3A_2, %dma_wait3A_431] : memref<204800x128xf32, #tpu.memory_space<hbm>> -> memref<64x128xf32, #tpu.memory_space<hbm>>
        %dma_wait3A_433 = arith.constant 0 : i32
        %dma_wait3A_434 = tpu.memref_slice %arg4[%mul3A_2, %dma_wait3A_433] : memref<204800x128xf32, #tpu.memory_space<hbm>> -> memref<64x128xf32, #tpu.memory_space<hbm>>
        tpu.wait_dma2 semaphore(%arg27 : memref<!tpu.dma_semaphore, #tpu.memory_space<semaphore_mem>>) src(%arg7 : memref<64x128xf32, #tpu.memory_space<vmem>>) dst(%dma_wait3A_434 : memref<64x128xf32, #tpu.memory_space<hbm>>)
      } else {
      }
      %add3A_226 = arith.constant 8 : i32
      %add3A_227 = arith.addi %add3A_201, %add3A_226 : i32
      %lt3A_228 = arith.constant 100 : i32
      %lt3A_229 = arith.cmpi slt, %add3A_227, %lt3A_228 : i32
      %convert_element_type3A_230 = arith.extui %lt3A_229 : i1 to i32
      %cond3A_231 = arith.constant 0 : i32
      %cond3A_232 = arith.cmpi ne, %convert_element_type3A_230, %cond3A_231 : i32
      scf.if %cond3A_232 {
        %add3A_431 = arith.constant 8 : i32
        %add3A_432 = arith.addi %add3A_201, %add3A_431 : i32
        %dma_start3A_433 = arith.constant 0 : i32
        %dma_start3A_434 = tpu.memref_slice %arg5[%add3A_432, %dma_start3A_433] : memref<100x64xi32, #tpu.memory_space<vmem>> -> memref<1x64xi32, #tpu.memory_space<vmem>>
        %dma_start3A_435 = tpu.memref_squeeze %dma_start3A_434 : memref<1x64xi32, #tpu.memory_space<vmem>> -> memref<64xi32, #tpu.memory_space<vmem>>
        %dma_start3A_436 = arith.constant 0 : i32
        %dma_start3A_437 = arith.constant 0 : i32
        %dma_start3A_438 = tpu.memref_slice %arg3[%dma_start3A_436, %dma_start3A_437] : memref<100000x128xf32, #tpu.memory_space<hbm>> -> memref<100000x128xf32, #tpu.memory_space<hbm>>
        tpu.enqueue_indirect_dma source(%dma_start3A_438 : memref<100000x128xf32, #tpu.memory_space<hbm>>) target(%arg7 : memref<64x128xf32, #tpu.memory_space<vmem>>) offsets(%dma_start3A_435 : memref<64xi32, #tpu.memory_space<vmem>>) semaphore(%arg17 : memref<!tpu.dma_semaphore, #tpu.memory_space<semaphore_mem>>)
      } else {
      }
      %add3A_233 = arith.constant 4 : i32
      %add3A_234 = arith.addi %add3A_105, %add3A_233 : i32
      %dma_wait3A_235 = arith.constant 0 : i32
      %dma_wait3A_236 = arith.constant 0 : i32
      %dma_wait3A_237 = tpu.memref_slice %arg5[%dma_wait3A_235, %dma_wait3A_236] : memref<100x64xi32, #tpu.memory_space<vmem>> -> memref<1x64xi32, #tpu.memory_space<vmem>>
      %dma_wait3A_238 = tpu.memref_squeeze %dma_wait3A_237 : memref<1x64xi32, #tpu.memory_space<vmem>> -> memref<64xi32, #tpu.memory_space<vmem>>
      %dma_wait3A_239 = arith.constant 0 : i32
      %dma_wait3A_240 = arith.constant 0 : i32
      %dma_wait3A_241 = tpu.memref_slice %arg3[%dma_wait3A_239, %dma_wait3A_240] : memref<100000x128xf32, #tpu.memory_space<hbm>> -> memref<100000x128xf32, #tpu.memory_space<hbm>>
      tpu.wait_indirect_dma semaphore(%arg20 : memref<!tpu.dma_semaphore, #tpu.memory_space<semaphore_mem>>) src(%dma_wait3A_241 : memref<100000x128xf32, #tpu.memory_space<hbm>>) dst(%arg10 : memref<64x128xf32, #tpu.memory_space<vmem>>)
      %mul3A_242 = arith.constant 64 : i32
      %mul3A_243 = arith.muli %add3A_234, %mul3A_242 : i32
      %add3A_244 = arith.addi %mul3A_2, %mul3A_243 : i32
      %dma_start3A_245 = arith.constant 0 : i32
      %dma_start3A_246 = tpu.memref_slice %arg4[%add3A_244, %dma_start3A_245] : memref<204800x128xf32, #tpu.memory_space<hbm>> -> memref<64x128xf32, #tpu.memory_space<hbm>>
      %dma_start3A_247 = arith.constant 0 : i32
      %dma_start3A_248 = tpu.memref_slice %arg4[%add3A_244, %dma_start3A_247] : memref<204800x128xf32, #tpu.memory_space<hbm>> -> memref<64x128xf32, #tpu.memory_space<hbm>>
      tpu.enqueue_dma source(%arg10 : memref<64x128xf32, #tpu.memory_space<vmem>>) target(%dma_start3A_248 : memref<64x128xf32, #tpu.memory_space<hbm>>) target_semaphore(%arg30 : memref<!tpu.dma_semaphore, #tpu.memory_space<semaphore_mem>>)
      %ge3A_249 = arith.constant 2 : i32
      %ge3A_250 = arith.cmpi sge, %add3A_234, %ge3A_249 : i32
      %add3A_251 = arith.constant 8 : i32
      %add3A_252 = arith.addi %add3A_234, %add3A_251 : i32
      %lt3A_253 = arith.constant 100 : i32
      %lt3A_254 = arith.cmpi slt, %add3A_252, %lt3A_253 : i32
      %and3A_255 = arith.andi %ge3A_250, %lt3A_254 : i1
      %convert_element_type3A_256 = arith.extui %and3A_255 : i1 to i32
      %cond3A_257 = arith.constant 0 : i32
      %cond3A_258 = arith.cmpi ne, %convert_element_type3A_256, %cond3A_257 : i32
      scf.if %cond3A_258 {
        %dma_wait3A_431 = arith.constant 0 : i32
        %dma_wait3A_432 = tpu.memref_slice %arg4[%mul3A_2, %dma_wait3A_431] : memref<204800x128xf32, #tpu.memory_space<hbm>> -> memref<64x128xf32, #tpu.memory_space<hbm>>
        %dma_wait3A_433 = arith.constant 0 : i32
        %dma_wait3A_434 = tpu.memref_slice %arg4[%mul3A_2, %dma_wait3A_433] : memref<204800x128xf32, #tpu.memory_space<hbm>> -> memref<64x128xf32, #tpu.memory_space<hbm>>
        tpu.wait_dma2 semaphore(%arg28 : memref<!tpu.dma_semaphore, #tpu.memory_space<semaphore_mem>>) src(%arg8 : memref<64x128xf32, #tpu.memory_space<vmem>>) dst(%dma_wait3A_434 : memref<64x128xf32, #tpu.memory_space<hbm>>)
      } else {
      }
      %add3A_259 = arith.constant 8 : i32
      %add3A_260 = arith.addi %add3A_234, %add3A_259 : i32
      %lt3A_261 = arith.constant 100 : i32
      %lt3A_262 = arith.cmpi slt, %add3A_260, %lt3A_261 : i32
      %convert_element_type3A_263 = arith.extui %lt3A_262 : i1 to i32
      %cond3A_264 = arith.constant 0 : i32
      %cond3A_265 = arith.cmpi ne, %convert_element_type3A_263, %cond3A_264 : i32
      scf.if %cond3A_265 {
        %add3A_431 = arith.constant 8 : i32
        %add3A_432 = arith.addi %add3A_234, %add3A_431 : i32
        %dma_start3A_433 = arith.constant 0 : i32
        %dma_start3A_434 = tpu.memref_slice %arg5[%add3A_432, %dma_start3A_433] : memref<100x64xi32, #tpu.memory_space<vmem>> -> memref<1x64xi32, #tpu.memory_space<vmem>>
        %dma_start3A_435 = tpu.memref_squeeze %dma_start3A_434 : memref<1x64xi32, #tpu.memory_space<vmem>> -> memref<64xi32, #tpu.memory_space<vmem>>
        %dma_start3A_436 = arith.constant 0 : i32
        %dma_start3A_437 = arith.constant 0 : i32
        %dma_start3A_438 = tpu.memref_slice %arg3[%dma_start3A_436, %dma_start3A_437] : memref<100000x128xf32, #tpu.memory_space<hbm>> -> memref<100000x128xf32, #tpu.memory_space<hbm>>
        tpu.enqueue_indirect_dma source(%dma_start3A_438 : memref<100000x128xf32, #tpu.memory_space<hbm>>) target(%arg8 : memref<64x128xf32, #tpu.memory_space<vmem>>) offsets(%dma_start3A_435 : memref<64xi32, #tpu.memory_space<vmem>>) semaphore(%arg18 : memref<!tpu.dma_semaphore, #tpu.memory_space<semaphore_mem>>)
      } else {
      }
      %add3A_266 = arith.constant 5 : i32
      %add3A_267 = arith.addi %add3A_105, %add3A_266 : i32
      %dma_wait3A_268 = arith.constant 0 : i32
      %dma_wait3A_269 = arith.constant 0 : i32
      %dma_wait3A_270 = tpu.memref_slice %arg5[%dma_wait3A_268, %dma_wait3A_269] : memref<100x64xi32, #tpu.memory_space<vmem>> -> memref<1x64xi32, #tpu.memory_space<vmem>>
      %dma_wait3A_271 = tpu.memref_squeeze %dma_wait3A_270 : memref<1x64xi32, #tpu.memory_space<vmem>> -> memref<64xi32, #tpu.memory_space<vmem>>
      %dma_wait3A_272 = arith.constant 0 : i32
      %dma_wait3A_273 = arith.constant 0 : i32
      %dma_wait3A_274 = tpu.memref_slice %arg3[%dma_wait3A_272, %dma_wait3A_273] : memref<100000x128xf32, #tpu.memory_space<hbm>> -> memref<100000x128xf32, #tpu.memory_space<hbm>>
      tpu.wait_indirect_dma semaphore(%arg21 : memref<!tpu.dma_semaphore, #tpu.memory_space<semaphore_mem>>) src(%dma_wait3A_274 : memref<100000x128xf32, #tpu.memory_space<hbm>>) dst(%arg11 : memref<64x128xf32, #tpu.memory_space<vmem>>)
      %mul3A_275 = arith.constant 64 : i32
      %mul3A_276 = arith.muli %add3A_267, %mul3A_275 : i32
      %add3A_277 = arith.addi %mul3A_2, %mul3A_276 : i32
      %dma_start3A_278 = arith.constant 0 : i32
      %dma_start3A_279 = tpu.memref_slice %arg4[%add3A_277, %dma_start3A_278] : memref<204800x128xf32, #tpu.memory_space<hbm>> -> memref<64x128xf32, #tpu.memory_space<hbm>>
      %dma_start3A_280 = arith.constant 0 : i32
      %dma_start3A_281 = tpu.memref_slice %arg4[%add3A_277, %dma_start3A_280] : memref<204800x128xf32, #tpu.memory_space<hbm>> -> memref<64x128xf32, #tpu.memory_space<hbm>>
      tpu.enqueue_dma source(%arg11 : memref<64x128xf32, #tpu.memory_space<vmem>>) target(%dma_start3A_281 : memref<64x128xf32, #tpu.memory_space<hbm>>) target_semaphore(%arg31 : memref<!tpu.dma_semaphore, #tpu.memory_space<semaphore_mem>>)
      %ge3A_282 = arith.constant 2 : i32
      %ge3A_283 = arith.cmpi sge, %add3A_267, %ge3A_282 : i32
      %add3A_284 = arith.constant 8 : i32
      %add3A_285 = arith.addi %add3A_267, %add3A_284 : i32
      %lt3A_286 = arith.constant 100 : i32
      %lt3A_287 = arith.cmpi slt, %add3A_285, %lt3A_286 : i32
      %and3A_288 = arith.andi %ge3A_283, %lt3A_287 : i1
      %convert_element_type3A_289 = arith.extui %and3A_288 : i1 to i32
      %cond3A_290 = arith.constant 0 : i32
      %cond3A_291 = arith.cmpi ne, %convert_element_type3A_289, %cond3A_290 : i32
      scf.if %cond3A_291 {
        %dma_wait3A_431 = arith.constant 0 : i32
        %dma_wait3A_432 = tpu.memref_slice %arg4[%mul3A_2, %dma_wait3A_431] : memref<204800x128xf32, #tpu.memory_space<hbm>> -> memref<64x128xf32, #tpu.memory_space<hbm>>
        %dma_wait3A_433 = arith.constant 0 : i32
        %dma_wait3A_434 = tpu.memref_slice %arg4[%mul3A_2, %dma_wait3A_433] : memref<204800x128xf32, #tpu.memory_space<hbm>> -> memref<64x128xf32, #tpu.memory_space<hbm>>
        tpu.wait_dma2 semaphore(%arg29 : memref<!tpu.dma_semaphore, #tpu.memory_space<semaphore_mem>>) src(%arg9 : memref<64x128xf32, #tpu.memory_space<vmem>>) dst(%dma_wait3A_434 : memref<64x128xf32, #tpu.memory_space<hbm>>)
      } else {
      }
      %add3A_292 = arith.constant 8 : i32
      %add3A_293 = arith.addi %add3A_267, %add3A_292 : i32
      %lt3A_294 = arith.constant 100 : i32
      %lt3A_295 = arith.cmpi slt, %add3A_293, %lt3A_294 : i32
      %convert_element_type3A_296 = arith.extui %lt3A_295 : i1 to i32
      %cond3A_297 = arith.constant 0 : i32
      %cond3A_298 = arith.cmpi ne, %convert_element_type3A_296, %cond3A_297 : i32
      scf.if %cond3A_298 {
        %add3A_431 = arith.constant 8 : i32
        %add3A_432 = arith.addi %add3A_267, %add3A_431 : i32
        %dma_start3A_433 = arith.constant 0 : i32
        %dma_start3A_434 = tpu.memref_slice %arg5[%add3A_432, %dma_start3A_433] : memref<100x64xi32, #tpu.memory_space<vmem>> -> memref<1x64xi32, #tpu.memory_space<vmem>>
        %dma_start3A_435 = tpu.memref_squeeze %dma_start3A_434 : memref<1x64xi32, #tpu.memory_space<vmem>> -> memref<64xi32, #tpu.memory_space<vmem>>
        %dma_start3A_436 = arith.constant 0 : i32
        %dma_start3A_437 = arith.constant 0 : i32
        %dma_start3A_438 = tpu.memref_slice %arg3[%dma_start3A_436, %dma_start3A_437] : memref<100000x128xf32, #tpu.memory_space<hbm>> -> memref<100000x128xf32, #tpu.memory_space<hbm>>
        tpu.enqueue_indirect_dma source(%dma_start3A_438 : memref<100000x128xf32, #tpu.memory_space<hbm>>) target(%arg9 : memref<64x128xf32, #tpu.memory_space<vmem>>) offsets(%dma_start3A_435 : memref<64xi32, #tpu.memory_space<vmem>>) semaphore(%arg19 : memref<!tpu.dma_semaphore, #tpu.memory_space<semaphore_mem>>)
      } else {
      }
      %add3A_299 = arith.constant 6 : i32
      %add3A_300 = arith.addi %add3A_105, %add3A_299 : i32
      %dma_wait3A_301 = arith.constant 0 : i32
      %dma_wait3A_302 = arith.constant 0 : i32
      %dma_wait3A_303 = tpu.memref_slice %arg5[%dma_wait3A_301, %dma_wait3A_302] : memref<100x64xi32, #tpu.memory_space<vmem>> -> memref<1x64xi32, #tpu.memory_space<vmem>>
      %dma_wait3A_304 = tpu.memref_squeeze %dma_wait3A_303 : memref<1x64xi32, #tpu.memory_space<vmem>> -> memref<64xi32, #tpu.memory_space<vmem>>
      %dma_wait3A_305 = arith.constant 0 : i32
      %dma_wait3A_306 = arith.constant 0 : i32
      %dma_wait3A_307 = tpu.memref_slice %arg3[%dma_wait3A_305, %dma_wait3A_306] : memref<100000x128xf32, #tpu.memory_space<hbm>> -> memref<100000x128xf32, #tpu.memory_space<hbm>>
      tpu.wait_indirect_dma semaphore(%arg22 : memref<!tpu.dma_semaphore, #tpu.memory_space<semaphore_mem>>) src(%dma_wait3A_307 : memref<100000x128xf32, #tpu.memory_space<hbm>>) dst(%arg12 : memref<64x128xf32, #tpu.memory_space<vmem>>)
      %mul3A_308 = arith.constant 64 : i32
      %mul3A_309 = arith.muli %add3A_300, %mul3A_308 : i32
      %add3A_310 = arith.addi %mul3A_2, %mul3A_309 : i32
      %dma_start3A_311 = arith.constant 0 : i32
      %dma_start3A_312 = tpu.memref_slice %arg4[%add3A_310, %dma_start3A_311] : memref<204800x128xf32, #tpu.memory_space<hbm>> -> memref<64x128xf32, #tpu.memory_space<hbm>>
      %dma_start3A_313 = arith.constant 0 : i32
      %dma_start3A_314 = tpu.memref_slice %arg4[%add3A_310, %dma_start3A_313] : memref<204800x128xf32, #tpu.memory_space<hbm>> -> memref<64x128xf32, #tpu.memory_space<hbm>>
      tpu.enqueue_dma source(%arg12 : memref<64x128xf32, #tpu.memory_space<vmem>>) target(%dma_start3A_314 : memref<64x128xf32, #tpu.memory_space<hbm>>) target_semaphore(%arg32 : memref<!tpu.dma_semaphore, #tpu.memory_space<semaphore_mem>>)
      %ge3A_315 = arith.constant 2 : i32
      %ge3A_316 = arith.cmpi sge, %add3A_300, %ge3A_315 : i32
      %add3A_317 = arith.constant 8 : i32
      %add3A_318 = arith.addi %add3A_300, %add3A_317 : i32
      %lt3A_319 = arith.constant 100 : i32
      %lt3A_320 = arith.cmpi slt, %add3A_318, %lt3A_319 : i32
      %and3A_321 = arith.andi %ge3A_316, %lt3A_320 : i1
      %convert_element_type3A_322 = arith.extui %and3A_321 : i1 to i32
      %cond3A_323 = arith.constant 0 : i32
      %cond3A_324 = arith.cmpi ne, %convert_element_type3A_322, %cond3A_323 : i32
      scf.if %cond3A_324 {
        %dma_wait3A_431 = arith.constant 0 : i32
        %dma_wait3A_432 = tpu.memref_slice %arg4[%mul3A_2, %dma_wait3A_431] : memref<204800x128xf32, #tpu.memory_space<hbm>> -> memref<64x128xf32, #tpu.memory_space<hbm>>
        %dma_wait3A_433 = arith.constant 0 : i32
        %dma_wait3A_434 = tpu.memref_slice %arg4[%mul3A_2, %dma_wait3A_433] : memref<204800x128xf32, #tpu.memory_space<hbm>> -> memref<64x128xf32, #tpu.memory_space<hbm>>
        tpu.wait_dma2 semaphore(%arg30 : memref<!tpu.dma_semaphore, #tpu.memory_space<semaphore_mem>>) src(%arg10 : memref<64x128xf32, #tpu.memory_space<vmem>>) dst(%dma_wait3A_434 : memref<64x128xf32, #tpu.memory_space<hbm>>)
      } else {
      }
      %add3A_325 = arith.constant 8 : i32
      %add3A_326 = arith.addi %add3A_300, %add3A_325 : i32
      %lt3A_327 = arith.constant 100 : i32
      %lt3A_328 = arith.cmpi slt, %add3A_326, %lt3A_327 : i32
      %convert_element_type3A_329 = arith.extui %lt3A_328 : i1 to i32
      %cond3A_330 = arith.constant 0 : i32
      %cond3A_331 = arith.cmpi ne, %convert_element_type3A_329, %cond3A_330 : i32
      scf.if %cond3A_331 {
        %add3A_431 = arith.constant 8 : i32
        %add3A_432 = arith.addi %add3A_300, %add3A_431 : i32
        %dma_start3A_433 = arith.constant 0 : i32
        %dma_start3A_434 = tpu.memref_slice %arg5[%add3A_432, %dma_start3A_433] : memref<100x64xi32, #tpu.memory_space<vmem>> -> memref<1x64xi32, #tpu.memory_space<vmem>>
        %dma_start3A_435 = tpu.memref_squeeze %dma_start3A_434 : memref<1x64xi32, #tpu.memory_space<vmem>> -> memref<64xi32, #tpu.memory_space<vmem>>
        %dma_start3A_436 = arith.constant 0 : i32
        %dma_start3A_437 = arith.constant 0 : i32
        %dma_start3A_438 = tpu.memref_slice %arg3[%dma_start3A_436, %dma_start3A_437] : memref<100000x128xf32, #tpu.memory_space<hbm>> -> memref<100000x128xf32, #tpu.memory_space<hbm>>
        tpu.enqueue_indirect_dma source(%dma_start3A_438 : memref<100000x128xf32, #tpu.memory_space<hbm>>) target(%arg10 : memref<64x128xf32, #tpu.memory_space<vmem>>) offsets(%dma_start3A_435 : memref<64xi32, #tpu.memory_space<vmem>>) semaphore(%arg20 : memref<!tpu.dma_semaphore, #tpu.memory_space<semaphore_mem>>)
      } else {
      }
      %add3A_332 = arith.constant 7 : i32
      %add3A_333 = arith.addi %add3A_105, %add3A_332 : i32
      %dma_wait3A_334 = arith.constant 0 : i32
      %dma_wait3A_335 = arith.constant 0 : i32
      %dma_wait3A_336 = tpu.memref_slice %arg5[%dma_wait3A_334, %dma_wait3A_335] : memref<100x64xi32, #tpu.memory_space<vmem>> -> memref<1x64xi32, #tpu.memory_space<vmem>>
      %dma_wait3A_337 = tpu.memref_squeeze %dma_wait3A_336 : memref<1x64xi32, #tpu.memory_space<vmem>> -> memref<64xi32, #tpu.memory_space<vmem>>
      %dma_wait3A_338 = arith.constant 0 : i32
      %dma_wait3A_339 = arith.constant 0 : i32
      %dma_wait3A_340 = tpu.memref_slice %arg3[%dma_wait3A_338, %dma_wait3A_339] : memref<100000x128xf32, #tpu.memory_space<hbm>> -> memref<100000x128xf32, #tpu.memory_space<hbm>>
      tpu.wait_indirect_dma semaphore(%arg23 : memref<!tpu.dma_semaphore, #tpu.memory_space<semaphore_mem>>) src(%dma_wait3A_340 : memref<100000x128xf32, #tpu.memory_space<hbm>>) dst(%arg13 : memref<64x128xf32, #tpu.memory_space<vmem>>)
      %mul3A_341 = arith.constant 64 : i32
      %mul3A_342 = arith.muli %add3A_333, %mul3A_341 : i32
      %add3A_343 = arith.addi %mul3A_2, %mul3A_342 : i32
      %dma_start3A_344 = arith.constant 0 : i32
      %dma_start3A_345 = tpu.memref_slice %arg4[%add3A_343, %dma_start3A_344] : memref<204800x128xf32, #tpu.memory_space<hbm>> -> memref<64x128xf32, #tpu.memory_space<hbm>>
      %dma_start3A_346 = arith.constant 0 : i32
      %dma_start3A_347 = tpu.memref_slice %arg4[%add3A_343, %dma_start3A_346] : memref<204800x128xf32, #tpu.memory_space<hbm>> -> memref<64x128xf32, #tpu.memory_space<hbm>>
      tpu.enqueue_dma source(%arg13 : memref<64x128xf32, #tpu.memory_space<vmem>>) target(%dma_start3A_347 : memref<64x128xf32, #tpu.memory_space<hbm>>) target_semaphore(%arg33 : memref<!tpu.dma_semaphore, #tpu.memory_space<semaphore_mem>>)
      %ge3A_348 = arith.constant 2 : i32
      %ge3A_349 = arith.cmpi sge, %add3A_333, %ge3A_348 : i32
      %add3A_350 = arith.constant 8 : i32
      %add3A_351 = arith.addi %add3A_333, %add3A_350 : i32
      %lt3A_352 = arith.constant 100 : i32
      %lt3A_353 = arith.cmpi slt, %add3A_351, %lt3A_352 : i32
      %and3A_354 = arith.andi %ge3A_349, %lt3A_353 : i1
      %convert_element_type3A_355 = arith.extui %and3A_354 : i1 to i32
      %cond3A_356 = arith.constant 0 : i32
      %cond3A_357 = arith.cmpi ne, %convert_element_type3A_355, %cond3A_356 : i32
      scf.if %cond3A_357 {
        %dma_wait3A_431 = arith.constant 0 : i32
        %dma_wait3A_432 = tpu.memref_slice %arg4[%mul3A_2, %dma_wait3A_431] : memref<204800x128xf32, #tpu.memory_space<hbm>> -> memref<64x128xf32, #tpu.memory_space<hbm>>
        %dma_wait3A_433 = arith.constant 0 : i32
        %dma_wait3A_434 = tpu.memref_slice %arg4[%mul3A_2, %dma_wait3A_433] : memref<204800x128xf32, #tpu.memory_space<hbm>> -> memref<64x128xf32, #tpu.memory_space<hbm>>
        tpu.wait_dma2 semaphore(%arg31 : memref<!tpu.dma_semaphore, #tpu.memory_space<semaphore_mem>>) src(%arg11 : memref<64x128xf32, #tpu.memory_space<vmem>>) dst(%dma_wait3A_434 : memref<64x128xf32, #tpu.memory_space<hbm>>)
      } else {
      }
      %add3A_358 = arith.constant 8 : i32
      %add3A_359 = arith.addi %add3A_333, %add3A_358 : i32
      %lt3A_360 = arith.constant 100 : i32
      %lt3A_361 = arith.cmpi slt, %add3A_359, %lt3A_360 : i32
      %convert_element_type3A_362 = arith.extui %lt3A_361 : i1 to i32
      %cond3A_363 = arith.constant 0 : i32
      %cond3A_364 = arith.cmpi ne, %convert_element_type3A_362, %cond3A_363 : i32
      scf.if %cond3A_364 {
        %add3A_431 = arith.constant 8 : i32
        %add3A_432 = arith.addi %add3A_333, %add3A_431 : i32
        %dma_start3A_433 = arith.constant 0 : i32
        %dma_start3A_434 = tpu.memref_slice %arg5[%add3A_432, %dma_start3A_433] : memref<100x64xi32, #tpu.memory_space<vmem>> -> memref<1x64xi32, #tpu.memory_space<vmem>>
        %dma_start3A_435 = tpu.memref_squeeze %dma_start3A_434 : memref<1x64xi32, #tpu.memory_space<vmem>> -> memref<64xi32, #tpu.memory_space<vmem>>
        %dma_start3A_436 = arith.constant 0 : i32
        %dma_start3A_437 = arith.constant 0 : i32
        %dma_start3A_438 = tpu.memref_slice %arg3[%dma_start3A_436, %dma_start3A_437] : memref<100000x128xf32, #tpu.memory_space<hbm>> -> memref<100000x128xf32, #tpu.memory_space<hbm>>
        tpu.enqueue_indirect_dma source(%dma_start3A_438 : memref<100000x128xf32, #tpu.memory_space<hbm>>) target(%arg11 : memref<64x128xf32, #tpu.memory_space<vmem>>) offsets(%dma_start3A_435 : memref<64xi32, #tpu.memory_space<vmem>>) semaphore(%arg21 : memref<!tpu.dma_semaphore, #tpu.memory_space<semaphore_mem>>)
      } else {
      }
      %add3A_365 = arith.constant 8 : i32
      %add3A_366 = arith.addi %add3A_105, %add3A_365 : i32
      %dma_wait3A_367 = arith.constant 0 : i32
      %dma_wait3A_368 = arith.constant 0 : i32
      %dma_wait3A_369 = tpu.memref_slice %arg5[%dma_wait3A_367, %dma_wait3A_368] : memref<100x64xi32, #tpu.memory_space<vmem>> -> memref<1x64xi32, #tpu.memory_space<vmem>>
      %dma_wait3A_370 = tpu.memref_squeeze %dma_wait3A_369 : memref<1x64xi32, #tpu.memory_space<vmem>> -> memref<64xi32, #tpu.memory_space<vmem>>
      %dma_wait3A_371 = arith.constant 0 : i32
      %dma_wait3A_372 = arith.constant 0 : i32
      %dma_wait3A_373 = tpu.memref_slice %arg3[%dma_wait3A_371, %dma_wait3A_372] : memref<100000x128xf32, #tpu.memory_space<hbm>> -> memref<100000x128xf32, #tpu.memory_space<hbm>>
      tpu.wait_indirect_dma semaphore(%arg24 : memref<!tpu.dma_semaphore, #tpu.memory_space<semaphore_mem>>) src(%dma_wait3A_373 : memref<100000x128xf32, #tpu.memory_space<hbm>>) dst(%arg14 : memref<64x128xf32, #tpu.memory_space<vmem>>)
      %mul3A_374 = arith.constant 64 : i32
      %mul3A_375 = arith.muli %add3A_366, %mul3A_374 : i32
      %add3A_376 = arith.addi %mul3A_2, %mul3A_375 : i32
      %dma_start3A_377 = arith.constant 0 : i32
      %dma_start3A_378 = tpu.memref_slice %arg4[%add3A_376, %dma_start3A_377] : memref<204800x128xf32, #tpu.memory_space<hbm>> -> memref<64x128xf32, #tpu.memory_space<hbm>>
      %dma_start3A_379 = arith.constant 0 : i32
      %dma_start3A_380 = tpu.memref_slice %arg4[%add3A_376, %dma_start3A_379] : memref<204800x128xf32, #tpu.memory_space<hbm>> -> memref<64x128xf32, #tpu.memory_space<hbm>>
      tpu.enqueue_dma source(%arg14 : memref<64x128xf32, #tpu.memory_space<vmem>>) target(%dma_start3A_380 : memref<64x128xf32, #tpu.memory_space<hbm>>) target_semaphore(%arg34 : memref<!tpu.dma_semaphore, #tpu.memory_space<semaphore_mem>>)
      %ge3A_381 = arith.constant 2 : i32
      %ge3A_382 = arith.cmpi sge, %add3A_366, %ge3A_381 : i32
      %add3A_383 = arith.constant 8 : i32
      %add3A_384 = arith.addi %add3A_366, %add3A_383 : i32
      %lt3A_385 = arith.constant 100 : i32
      %lt3A_386 = arith.cmpi slt, %add3A_384, %lt3A_385 : i32
      %and3A_387 = arith.andi %ge3A_382, %lt3A_386 : i1
      %convert_element_type3A_388 = arith.extui %and3A_387 : i1 to i32
      %cond3A_389 = arith.constant 0 : i32
      %cond3A_390 = arith.cmpi ne, %convert_element_type3A_388, %cond3A_389 : i32
      scf.if %cond3A_390 {
        %dma_wait3A_431 = arith.constant 0 : i32
        %dma_wait3A_432 = tpu.memref_slice %arg4[%mul3A_2, %dma_wait3A_431] : memref<204800x128xf32, #tpu.memory_space<hbm>> -> memref<64x128xf32, #tpu.memory_space<hbm>>
        %dma_wait3A_433 = arith.constant 0 : i32
        %dma_wait3A_434 = tpu.memref_slice %arg4[%mul3A_2, %dma_wait3A_433] : memref<204800x128xf32, #tpu.memory_space<hbm>> -> memref<64x128xf32, #tpu.memory_space<hbm>>
        tpu.wait_dma2 semaphore(%arg32 : memref<!tpu.dma_semaphore, #tpu.memory_space<semaphore_mem>>) src(%arg12 : memref<64x128xf32, #tpu.memory_space<vmem>>) dst(%dma_wait3A_434 : memref<64x128xf32, #tpu.memory_space<hbm>>)
      } else {
      }
      %add3A_391 = arith.constant 8 : i32
      %add3A_392 = arith.addi %add3A_366, %add3A_391 : i32
      %lt3A_393 = arith.constant 100 : i32
      %lt3A_394 = arith.cmpi slt, %add3A_392, %lt3A_393 : i32
      %convert_element_type3A_395 = arith.extui %lt3A_394 : i1 to i32
      %cond3A_396 = arith.constant 0 : i32
      %cond3A_397 = arith.cmpi ne, %convert_element_type3A_395, %cond3A_396 : i32
      scf.if %cond3A_397 {
        %add3A_431 = arith.constant 8 : i32
        %add3A_432 = arith.addi %add3A_366, %add3A_431 : i32
        %dma_start3A_433 = arith.constant 0 : i32
        %dma_start3A_434 = tpu.memref_slice %arg5[%add3A_432, %dma_start3A_433] : memref<100x64xi32, #tpu.memory_space<vmem>> -> memref<1x64xi32, #tpu.memory_space<vmem>>
        %dma_start3A_435 = tpu.memref_squeeze %dma_start3A_434 : memref<1x64xi32, #tpu.memory_space<vmem>> -> memref<64xi32, #tpu.memory_space<vmem>>
        %dma_start3A_436 = arith.constant 0 : i32
        %dma_start3A_437 = arith.constant 0 : i32
        %dma_start3A_438 = tpu.memref_slice %arg3[%dma_start3A_436, %dma_start3A_437] : memref<100000x128xf32, #tpu.memory_space<hbm>> -> memref<100000x128xf32, #tpu.memory_space<hbm>>
        tpu.enqueue_indirect_dma source(%dma_start3A_438 : memref<100000x128xf32, #tpu.memory_space<hbm>>) target(%arg12 : memref<64x128xf32, #tpu.memory_space<vmem>>) offsets(%dma_start3A_435 : memref<64xi32, #tpu.memory_space<vmem>>) semaphore(%arg22 : memref<!tpu.dma_semaphore, #tpu.memory_space<semaphore_mem>>)
      } else {
      }
      %add3A_398 = arith.constant 9 : i32
      %add3A_399 = arith.addi %add3A_105, %add3A_398 : i32
      %dma_wait3A_400 = arith.constant 0 : i32
      %dma_wait3A_401 = arith.constant 0 : i32
      %dma_wait3A_402 = tpu.memref_slice %arg5[%dma_wait3A_400, %dma_wait3A_401] : memref<100x64xi32, #tpu.memory_space<vmem>> -> memref<1x64xi32, #tpu.memory_space<vmem>>
      %dma_wait3A_403 = tpu.memref_squeeze %dma_wait3A_402 : memref<1x64xi32, #tpu.memory_space<vmem>> -> memref<64xi32, #tpu.memory_space<vmem>>
      %dma_wait3A_404 = arith.constant 0 : i32
      %dma_wait3A_405 = arith.constant 0 : i32
      %dma_wait3A_406 = tpu.memref_slice %arg3[%dma_wait3A_404, %dma_wait3A_405] : memref<100000x128xf32, #tpu.memory_space<hbm>> -> memref<100000x128xf32, #tpu.memory_space<hbm>>
      tpu.wait_indirect_dma semaphore(%arg25 : memref<!tpu.dma_semaphore, #tpu.memory_space<semaphore_mem>>) src(%dma_wait3A_406 : memref<100000x128xf32, #tpu.memory_space<hbm>>) dst(%arg15 : memref<64x128xf32, #tpu.memory_space<vmem>>)
      %mul3A_407 = arith.constant 64 : i32
      %mul3A_408 = arith.muli %add3A_399, %mul3A_407 : i32
      %add3A_409 = arith.addi %mul3A_2, %mul3A_408 : i32
      %dma_start3A_410 = arith.constant 0 : i32
      %dma_start3A_411 = tpu.memref_slice %arg4[%add3A_409, %dma_start3A_410] : memref<204800x128xf32, #tpu.memory_space<hbm>> -> memref<64x128xf32, #tpu.memory_space<hbm>>
      %dma_start3A_412 = arith.constant 0 : i32
      %dma_start3A_413 = tpu.memref_slice %arg4[%add3A_409, %dma_start3A_412] : memref<204800x128xf32, #tpu.memory_space<hbm>> -> memref<64x128xf32, #tpu.memory_space<hbm>>
      tpu.enqueue_dma source(%arg15 : memref<64x128xf32, #tpu.memory_space<vmem>>) target(%dma_start3A_413 : memref<64x128xf32, #tpu.memory_space<hbm>>) target_semaphore(%arg35 : memref<!tpu.dma_semaphore, #tpu.memory_space<semaphore_mem>>)
      %ge3A_414 = arith.constant 2 : i32
      %ge3A_415 = arith.cmpi sge, %add3A_399, %ge3A_414 : i32
      %add3A_416 = arith.constant 8 : i32
      %add3A_417 = arith.addi %add3A_399, %add3A_416 : i32
      %lt3A_418 = arith.constant 100 : i32
      %lt3A_419 = arith.cmpi slt, %add3A_417, %lt3A_418 : i32
      %and3A_420 = arith.andi %ge3A_415, %lt3A_419 : i1
      %convert_element_type3A_421 = arith.extui %and3A_420 : i1 to i32
      %cond3A_422 = arith.constant 0 : i32
      %cond3A_423 = arith.cmpi ne, %convert_element_type3A_421, %cond3A_422 : i32
      scf.if %cond3A_423 {
        %dma_wait3A_431 = arith.constant 0 : i32
        %dma_wait3A_432 = tpu.memref_slice %arg4[%mul3A_2, %dma_wait3A_431] : memref<204800x128xf32, #tpu.memory_space<hbm>> -> memref<64x128xf32, #tpu.memory_space<hbm>>
        %dma_wait3A_433 = arith.constant 0 : i32
        %dma_wait3A_434 = tpu.memref_slice %arg4[%mul3A_2, %dma_wait3A_433] : memref<204800x128xf32, #tpu.memory_space<hbm>> -> memref<64x128xf32, #tpu.memory_space<hbm>>
        tpu.wait_dma2 semaphore(%arg33 : memref<!tpu.dma_semaphore, #tpu.memory_space<semaphore_mem>>) src(%arg13 : memref<64x128xf32, #tpu.memory_space<vmem>>) dst(%dma_wait3A_434 : memref<64x128xf32, #tpu.memory_space<hbm>>)
      } else {
      }
      %add3A_424 = arith.constant 8 : i32
      %add3A_425 = arith.addi %add3A_399, %add3A_424 : i32
      %lt3A_426 = arith.constant 100 : i32
      %lt3A_427 = arith.cmpi slt, %add3A_425, %lt3A_426 : i32
      %convert_element_type3A_428 = arith.extui %lt3A_427 : i1 to i32
      %cond3A_429 = arith.constant 0 : i32
      %cond3A_430 = arith.cmpi ne, %convert_element_type3A_428, %cond3A_429 : i32
      scf.if %cond3A_430 {
        %add3A_431 = arith.constant 8 : i32
        %add3A_432 = arith.addi %add3A_399, %add3A_431 : i32
        %dma_start3A_433 = arith.constant 0 : i32
        %dma_start3A_434 = tpu.memref_slice %arg5[%add3A_432, %dma_start3A_433] : memref<100x64xi32, #tpu.memory_space<vmem>> -> memref<1x64xi32, #tpu.memory_space<vmem>>
        %dma_start3A_435 = tpu.memref_squeeze %dma_start3A_434 : memref<1x64xi32, #tpu.memory_space<vmem>> -> memref<64xi32, #tpu.memory_space<vmem>>
        %dma_start3A_436 = arith.constant 0 : i32
        %dma_start3A_437 = arith.constant 0 : i32
        %dma_start3A_438 = tpu.memref_slice %arg3[%dma_start3A_436, %dma_start3A_437] : memref<100000x128xf32, #tpu.memory_space<hbm>> -> memref<100000x128xf32, #tpu.memory_space<hbm>>
        tpu.enqueue_indirect_dma source(%dma_start3A_438 : memref<100000x128xf32, #tpu.memory_space<hbm>>) target(%arg13 : memref<64x128xf32, #tpu.memory_space<vmem>>) offsets(%dma_start3A_435 : memref<64xi32, #tpu.memory_space<vmem>>) semaphore(%arg23 : memref<!tpu.dma_semaphore, #tpu.memory_space<semaphore_mem>>)
      } else {
      }
    }
    %scan3A_61 = arith.constant 10 : i32
    %dma_wait3A = arith.constant 0 : i32
    %dma_wait3A_62 = tpu.memref_slice %arg4[%mul3A_2, %dma_wait3A] : memref<204800x128xf32, #tpu.memory_space<hbm>> -> memref<64x128xf32, #tpu.memory_space<hbm>>
    %dma_wait3A_63 = arith.constant 0 : i32
    %dma_wait3A_64 = tpu.memref_slice %arg4[%mul3A_2, %dma_wait3A_63] : memref<204800x128xf32, #tpu.memory_space<hbm>> -> memref<64x128xf32, #tpu.memory_space<hbm>>
    tpu.wait_dma2 semaphore(%arg26 : memref<!tpu.dma_semaphore, #tpu.memory_space<semaphore_mem>>) src(%arg6 : memref<64x128xf32, #tpu.memory_space<vmem>>) dst(%dma_wait3A_64 : memref<64x128xf32, #tpu.memory_space<hbm>>)
    %dma_wait3A_65 = arith.constant 0 : i32
    %dma_wait3A_66 = tpu.memref_slice %arg4[%mul3A_2, %dma_wait3A_65] : memref<204800x128xf32, #tpu.memory_space<hbm>> -> memref<64x128xf32, #tpu.memory_space<hbm>>
    %dma_wait3A_67 = arith.constant 0 : i32
    %dma_wait3A_68 = tpu.memref_slice %arg4[%mul3A_2, %dma_wait3A_67] : memref<204800x128xf32, #tpu.memory_space<hbm>> -> memref<64x128xf32, #tpu.memory_space<hbm>>
    tpu.wait_dma2 semaphore(%arg27 : memref<!tpu.dma_semaphore, #tpu.memory_space<semaphore_mem>>) src(%arg7 : memref<64x128xf32, #tpu.memory_space<vmem>>) dst(%dma_wait3A_68 : memref<64x128xf32, #tpu.memory_space<hbm>>)
    %dma_wait3A_69 = arith.constant 0 : i32
    %dma_wait3A_70 = tpu.memref_slice %arg4[%mul3A_2, %dma_wait3A_69] : memref<204800x128xf32, #tpu.memory_space<hbm>> -> memref<64x128xf32, #tpu.memory_space<hbm>>
    %dma_wait3A_71 = arith.constant 0 : i32
    %dma_wait3A_72 = tpu.memref_slice %arg4[%mul3A_2, %dma_wait3A_71] : memref<204800x128xf32, #tpu.memory_space<hbm>> -> memref<64x128xf32, #tpu.memory_space<hbm>>
    tpu.wait_dma2 semaphore(%arg28 : memref<!tpu.dma_semaphore, #tpu.memory_space<semaphore_mem>>) src(%arg8 : memref<64x128xf32, #tpu.memory_space<vmem>>) dst(%dma_wait3A_72 : memref<64x128xf32, #tpu.memory_space<hbm>>)
    %dma_wait3A_73 = arith.constant 0 : i32
    %dma_wait3A_74 = tpu.memref_slice %arg4[%mul3A_2, %dma_wait3A_73] : memref<204800x128xf32, #tpu.memory_space<hbm>> -> memref<64x128xf32, #tpu.memory_space<hbm>>
    %dma_wait3A_75 = arith.constant 0 : i32
    %dma_wait3A_76 = tpu.memref_slice %arg4[%mul3A_2, %dma_wait3A_75] : memref<204800x128xf32, #tpu.memory_space<hbm>> -> memref<64x128xf32, #tpu.memory_space<hbm>>
    tpu.wait_dma2 semaphore(%arg29 : memref<!tpu.dma_semaphore, #tpu.memory_space<semaphore_mem>>) src(%arg9 : memref<64x128xf32, #tpu.memory_space<vmem>>) dst(%dma_wait3A_76 : memref<64x128xf32, #tpu.memory_space<hbm>>)
    %dma_wait3A_77 = arith.constant 0 : i32
    %dma_wait3A_78 = tpu.memref_slice %arg4[%mul3A_2, %dma_wait3A_77] : memref<204800x128xf32, #tpu.memory_space<hbm>> -> memref<64x128xf32, #tpu.memory_space<hbm>>
    %dma_wait3A_79 = arith.constant 0 : i32
    %dma_wait3A_80 = tpu.memref_slice %arg4[%mul3A_2, %dma_wait3A_79] : memref<204800x128xf32, #tpu.memory_space<hbm>> -> memref<64x128xf32, #tpu.memory_space<hbm>>
    tpu.wait_dma2 semaphore(%arg30 : memref<!tpu.dma_semaphore, #tpu.memory_space<semaphore_mem>>) src(%arg10 : memref<64x128xf32, #tpu.memory_space<vmem>>) dst(%dma_wait3A_80 : memref<64x128xf32, #tpu.memory_space<hbm>>)
    %dma_wait3A_81 = arith.constant 0 : i32
    %dma_wait3A_82 = tpu.memref_slice %arg4[%mul3A_2, %dma_wait3A_81] : memref<204800x128xf32, #tpu.memory_space<hbm>> -> memref<64x128xf32, #tpu.memory_space<hbm>>
    %dma_wait3A_83 = arith.constant 0 : i32
    %dma_wait3A_84 = tpu.memref_slice %arg4[%mul3A_2, %dma_wait3A_83] : memref<204800x128xf32, #tpu.memory_space<hbm>> -> memref<64x128xf32, #tpu.memory_space<hbm>>
    tpu.wait_dma2 semaphore(%arg31 : memref<!tpu.dma_semaphore, #tpu.memory_space<semaphore_mem>>) src(%arg11 : memref<64x128xf32, #tpu.memory_space<vmem>>) dst(%dma_wait3A_84 : memref<64x128xf32, #tpu.memory_space<hbm>>)
    %dma_wait3A_85 = arith.constant 0 : i32
    %dma_wait3A_86 = tpu.memref_slice %arg4[%mul3A_2, %dma_wait3A_85] : memref<204800x128xf32, #tpu.memory_space<hbm>> -> memref<64x128xf32, #tpu.memory_space<hbm>>
    %dma_wait3A_87 = arith.constant 0 : i32
    %dma_wait3A_88 = tpu.memref_slice %arg4[%mul3A_2, %dma_wait3A_87] : memref<204800x128xf32, #tpu.memory_space<hbm>> -> memref<64x128xf32, #tpu.memory_space<hbm>>
    tpu.wait_dma2 semaphore(%arg32 : memref<!tpu.dma_semaphore, #tpu.memory_space<semaphore_mem>>) src(%arg12 : memref<64x128xf32, #tpu.memory_space<vmem>>) dst(%dma_wait3A_88 : memref<64x128xf32, #tpu.memory_space<hbm>>)
    %dma_wait3A_89 = arith.constant 0 : i32
    %dma_wait3A_90 = tpu.memref_slice %arg4[%mul3A_2, %dma_wait3A_89] : memref<204800x128xf32, #tpu.memory_space<hbm>> -> memref<64x128xf32, #tpu.memory_space<hbm>>
    %dma_wait3A_91 = arith.constant 0 : i32
    %dma_wait3A_92 = tpu.memref_slice %arg4[%mul3A_2, %dma_wait3A_91] : memref<204800x128xf32, #tpu.memory_space<hbm>> -> memref<64x128xf32, #tpu.memory_space<hbm>>
    tpu.wait_dma2 semaphore(%arg33 : memref<!tpu.dma_semaphore, #tpu.memory_space<semaphore_mem>>) src(%arg13 : memref<64x128xf32, #tpu.memory_space<vmem>>) dst(%dma_wait3A_92 : memref<64x128xf32, #tpu.memory_space<hbm>>)
    %dma_wait3A_93 = arith.constant 0 : i32
    %dma_wait3A_94 = tpu.memref_slice %arg4[%mul3A_2, %dma_wait3A_93] : memref<204800x128xf32, #tpu.memory_space<hbm>> -> memref<64x128xf32, #tpu.memory_space<hbm>>
    %dma_wait3A_95 = arith.constant 0 : i32
    %dma_wait3A_96 = tpu.memref_slice %arg4[%mul3A_2, %dma_wait3A_95] : memref<204800x128xf32, #tpu.memory_space<hbm>> -> memref<64x128xf32, #tpu.memory_space<hbm>>
    tpu.wait_dma2 semaphore(%arg34 : memref<!tpu.dma_semaphore, #tpu.memory_space<semaphore_mem>>) src(%arg14 : memref<64x128xf32, #tpu.memory_space<vmem>>) dst(%dma_wait3A_96 : memref<64x128xf32, #tpu.memory_space<hbm>>)
    %dma_wait3A_97 = arith.constant 0 : i32
    %dma_wait3A_98 = tpu.memref_slice %arg4[%mul3A_2, %dma_wait3A_97] : memref<204800x128xf32, #tpu.memory_space<hbm>> -> memref<64x128xf32, #tpu.memory_space<hbm>>
    %dma_wait3A_99 = arith.constant 0 : i32
    %dma_wait3A_100 = tpu.memref_slice %arg4[%mul3A_2, %dma_wait3A_99] : memref<204800x128xf32, #tpu.memory_space<hbm>> -> memref<64x128xf32, #tpu.memory_space<hbm>>
    tpu.wait_dma2 semaphore(%arg35 : memref<!tpu.dma_semaphore, #tpu.memory_space<semaphore_mem>>) src(%arg15 : memref<64x128xf32, #tpu.memory_space<vmem>>) dst(%dma_wait3A_100 : memref<64x128xf32, #tpu.memory_space<hbm>>)
    return
  }
}

</mosaic_0001>

<sc_bundles>
// kernel: _gather.3.cloned.1.call-start
scs
__scs_entry_jumppad:
0x0: {  	(pc) =	sbr.rel $0x88, $3  }
0x1: {  	(tag) =	ssettag $0x0;
	lr =	simm.s32 $0x1  }
0x2: {  	[smem:$0x3F9F] =	sst lr;
	_ =	strace $0xD0000000  }
0x3: {  	_ = 	snop  }
0x4: {  	_ = 	snop  }
0x5: {  	_ = 	snop  }
0x6: {  	_ = 	snop  }
0x7: {  	_ = 	snop  }
__scs_overlays_trampoline_lowered:
0x8: {  	[smem:$0x3FAE] =	sst s0  }
0x9: {  	[smem:$0x3FAF] =	sst s1  }
0xa: {  	[smem:$0x3FB0] =	sst s2  }
0xb: {  	[smem:$0x3FB1] =	sst s3  }
0xc: {  	[smem:$0x3FB2] =	sst s4  }
0xd: {  	[smem:$0x3FB3] =	sst s5  }
0xe: {  	[smem:$0x3FB4] =	sst s6  }
0xf: {  	[smem:$0x3FB5] =	sst s7  }
0x10: {  	[smem:$0x3FB6] =	sst s8  }
0x11: {  	[smem:$0x3FB7] =	sst s9;
	s0 =	simm.s32 @!p0 $0x0  }
0x12: {  	s1 =	sld [smem:$0x3F9D];
	s0 =	simm.s32 @p0 $0x1  }
0x13: {  	[smem:$0x3FB8] =	sst s0;
	s0 =	simm.s32 @!p1 $0x0  }
0x14: {  	s2 =	sld [smem:$0x3F9C];
	s0 =	simm.s32 @p1 $0x1  }
0x15: {  	[smem:$0x3FB9] =	sst s0;
	s0 =	simm.s32 @!p2 $0x0  }
0x16: {  	s3 =	sld [smem:$0x3FDB];
	s0 =	simm.s32 @p2 $0x1  }
0x17: {  	s4 =	simm.s32 $0x1BF5;
	[smem:$0x3FBB] =	sst s0  }
0x18: {  	s0 =	sld [smem:$0x3F9E];
	_ =	swait.ge [sflag:s4], $0x0  }
0x19: {  	s7 =	sld [smem:$0x3F9F]  }
0x1a: {  	s8 =	sadd.s32 $0xFFFFE003, lr  }
0x1b: {  	s9 =	sadd.s32 $0xFFFFFEF7, lr;
	s5 =	simm.s32 $0xFFFFFFFF;
	p2 =	slt.u32 s8, $0xFFFFF086  }
0x1c: {  	p1 =	slt.u32 s9, $0xF7A;
	s5 =	simm.s32 @!p2 $0x0  }
0x1d: {  	s5 =	simm.s32 @p1 $0x1;
	p0 =	seq.s32 s7, s2  }
0x1e: {  	s7 =	smul.u32 @!p0 $0xF7A, s2;
	p2 =	seq.s32 @!p0 s5, $0x0  }
0x1f: {  	s9 =	smul.u32 $0xF7A, s1;
	s8 =	simm.s32 @!p0 $0x1BF5;
	p2 =	por !p2, p0  }
0x20: {  	[sflag:s8] =	ssyncset.s32 @!p0 $0xFFFFF086;
	s6 =	sadd.s32 @!p0 s3, s7;
	s7 =	simm.s32 @!p0 $0x108  }
0x21: {  	s3 =	sadd.s32 s3, s9;
	s6 =	sadd.s32 @!p0 $0x88, s6;
	s7 =	simm.s32 @p2 $0x1082  }
0x22: {  	[simem:s7], [sflag:s8] =	dma.local @!p0 [hbm:s6], $0xF7A  }
0x23: {  	s9 =	sor.u32 $0xD0000000, s2;
	s6 =	simm.s32 $0x108;
	_ =	swait.ge @!p0 [sflag:s8], $0x0  }
0x24: {  	s3 =	sadd.s32 $0x88, s3;
	s6 =	simm.s32 @!p1 $0x1082;
	[sflag:s4] =	ssyncset.s32 $0xFFFFF086  }
0x25: {  	[simem:s6], [sflag:s4] =	dma.local [hbm:s3], $0xF7A  }
0x26: {  	[smem:$0x3F9F] =	sst s1;
	(tag) =	ssettag s2;
	_ =	strace s9  }
0x27: {  	s1 =	sld [smem:$0x3FAF]  }
0x28: {  	s2 =	sld [smem:$0x3FB0]  }
0x29: {  	s4 =	sld [smem:$0x3FB2]  }
0x2a: {  	p0 =	seq.s32 s5, $0x0;
	s5 =	sld [smem:$0x3FB3]  }
0x2b: {  	s6 =	sld [smem:$0x3FB4]  }
0x2c: {  	s7 =	sld [smem:$0x3FB5]  }
0x2d: {  	s3 =	simm.s32 $0x108;
	s8 =	sld [smem:$0x3FB6]  }
0x2e: {  	s3 =	simm.s32 @!p0 $0x1082;
	s9 =	sld [smem:$0x3FB7]  }
0x2f: {  	lr =	sadd.s32 s0, s3;
	s0 =	sld [smem:$0x3FAE]  }
0x30: {  	s3 =	sld [smem:$0x3FB1]  }
0x31: {  	[smem:$0x3FBA] =	sst s10  }
0x32: {  	s10 =	sld [smem:$0x3FB8];
	_ =	sdelay $0x3  }
0x33: {  	p0 =	seq.s32 s10, $0x1;
	s10 =	sld [smem:$0x3FBA];
	_ =	sdelay $0x3  }
0x34: {  	[smem:$0x3FBA] =	sst s10  }
0x35: {  	s10 =	sld [smem:$0x3FB9];
	_ =	sdelay $0x3  }
0x36: {  	p1 =	seq.s32 s10, $0x1;
	s10 =	sld [smem:$0x3FBA];
	_ =	sdelay $0x3  }
0x37: {  	[smem:$0x3FBA] =	sst s10  }
0x38: {  	s10 =	sld [smem:$0x3FBB]  }
0x39: {  	_ = 	snop;
	(pc) =	sbr.ind lr, $3  }
0x3a: {  	_ = 	snop  }
0x3b: {  	_ = 	snop  }
0x3c: {  	p2 =	seq.s32 s10, $0x1;
	s10 =	sld [smem:$0x3FBA]  }
0x3d: {  	_ =	shalt  }
0x3e: {  	_ =	shalt  }
0x3f: {  	_ =	shalt  }
0x40: {  	_ =	shalt  }
0x41: {  	_ =	shalt  }
0x42: {  	_ =	shalt  }
0x43: {  	_ =	shalt  }
0x44: {  	_ =	shalt  }
0x45: {  	_ =	shalt  }
0x46: {  	_ =	shalt  }
0x47: {  	_ =	shalt  }
0x48: {  	_ =	shalt  }
0x49: {  	_ =	shalt  }
0x4a: {  	_ =	shalt  }
0x4b: {  	_ =	shalt  }
0x4c: {  	_ =	shalt  }
0x4d: {  	_ =	shalt  }
0x4e: {  	_ =	shalt  }
0x4f: {  	_ =	shalt  }
0x50: {  	_ =	shalt  }
0x51: {  	_ =	shalt  }
0x52: {  	_ =	shalt  }
0x53: {  	_ =	shalt  }
0x54: {  	_ =	shalt  }
0x55: {  	_ =	shalt  }
0x56: {  	_ =	shalt  }
0x57: {  	_ =	shalt  }
0x58: {  	_ =	shalt  }
0x59: {  	_ =	shalt  }
0x5a: {  	_ =	shalt  }
0x5b: {  	_ =	shalt  }
0x5c: {  	_ =	shalt  }
0x5d: {  	_ =	shalt  }
0x5e: {  	_ =	shalt  }
0x5f: {  	_ =	shalt  }
0x60: {  	_ =	shalt  }
0x61: {  	_ =	shalt  }
0x62: {  	_ =	shalt  }
0x63: {  	_ =	shalt  }
0x64: {  	_ =	shalt  }
0x65: {  	_ =	shalt  }
0x66: {  	_ =	shalt  }
0x67: {  	_ =	shalt  }
0x68: {  	_ =	shalt  }
0x69: {  	_ =	shalt  }
0x6a: {  	_ =	shalt  }
0x6b: {  	_ =	shalt  }
0x6c: {  	_ =	shalt  }
0x6d: {  	_ =	shalt  }
0x6e: {  	_ =	shalt  }
0x6f: {  	_ =	shalt  }
0x70: {  	_ =	shalt  }
0x71: {  	_ =	shalt  }
0x72: {  	_ =	shalt  }
0x73: {  	_ =	shalt  }
0x74: {  	_ =	shalt  }
0x75: {  	_ =	shalt  }
0x76: {  	_ =	shalt  }
0x77: {  	_ =	shalt  }
0x78: {  	_ =	shalt  }
0x79: {  	_ =	shalt  }
0x7a: {  	_ =	shalt  }
0x7b: {  	_ =	shalt  }
0x7c: {  	_ =	shalt  }
0x7d: {  	_ =	shalt  }
0x7e: {  	_ =	shalt  }
0x7f: {  	_ =	shalt  }
0x80: {  	_ =	shalt  }
0x81: {  	_ =	shalt  }
0x82: {  	_ =	shalt  }
0x83: {  	_ =	shalt  }
0x84: {  	_ =	shalt  }
0x85: {  	_ =	shalt  }
0x86: {  	_ =	shalt  }
0x87: {  	_ =	shalt  }
.Lfunc_end0:
.L_simem_size_0:
called_computation_lowered:
.L_overlay_start_0:
0x88: {  	s2 =	sld [smem:$0x3FD9]  }
0x89: {  	s3 =	sld [smem:$0x3FFE];
	_ =	sdelay $0x1  }
0x8a: {  	s1 =	srdreg.scid  }
0x8b: {  	s0 =	sand.u32 $0x1, s1  }
0x8c: {  	s17 =	sshll.u32 s0, $0xA;
	s2 =	sadd.s32 s3, s2  }
0x8d: {  	s2 =	sadd.s32 s2, s17  }
0x8e: {  	[smem:$0x3FC6] =	sst s2  }
0x8f: {  	_ = 	snop  }
0x90: {  	s2 =	sld [smem:$0x3FC8]  }
0x91: {  	s18 =	sld [smem:$0x3FD0];
	(tm) =	ssettm $0x1  }
0x92: {  	s4 =	sld [smem:$0x3FFB];
	_ =	sdelay $0x3  }
0x93: {  	_ =	strace s4  }
0x94: {  	s4 =	sld [smem:$0x3FFC];
	_ =	sdelay $0x3  }
0x95: {  	_ =	strace s4  }
0x96: {  	s4 =	sld [smem:$0x3FFD];
	_ =	sdelay $0x3  }
0x97: {  	_ =	strace s4  }
0x98: {  	_ =	strace $0x8FFFFFFF  }
0x99: {  	s19 =	sld [smem:$0x3FDB];
	_ =	sdelay $0x1  }
0x9a: {  	s5 =	simm.s32 $_scs_section_size  }
0x9b: {  	s6 =	simm.s32 $_size__tile_overlayer_lowered;
	s7 =	simm.s32 $_tile_overlayer_lowered  }
0x9c: {  	s22 =	simm.s32 $0x1BFF;
	s21 =	sshll.u32 s7, $0x1;
	s4 =	sadd.s32 s5, s19  }
0x9d: {  	s8 =	simm.s32 $0x0;
	s20 =	sshll.u32 s6, $0x1;
	s6 =	sadd.s32 s21, s4  }
0x9e: {  	[timem:s8], [sflag:s22] =	dma.local [hbm:s6], s20  }
0x9f: {  	_ =	swait.ge [sflag:s22], s20  }
0xa0: {  	s5 =	ssub.s32 $0x0, s20;
	[sflag:s22] =	ssyncset.done $0x0  }
0xa1: {  	[sflag:s22] =	ssyncadd.s32 s5;
	_ =	sdelay $0x1  }
0xa2: {  	s23 =	simm.s32 $0x1B8B  }
0xa3: {  	_ =	swait.ge [sflag:s23], $0x1  }
0xa4: {  	[sflag:s23] =	ssyncset.done $0x0  }
0xa5: {  	s25 =	simm.s32 $0x1B8E;
	s24 =	sld [smem:$0x3FFE];
	[sflag:s23] =	ssyncadd.s32 $0xFFFFFFFF  }
0xa6: {  	s26 =	simm.s32 $execute0_lowered;
	[smem:$0x3FD2] =	sst s25  }
0xa7: {  	s6 =	sshll.u32 s26, $0x1;
	_ =	strace $0x80000046;
	[dreg:$0x1] =	wrdreg $0xFFFFFFFF  }
0xa8: {  	s28 =	simm.s32 $_size_execute0_lowered;
	s4 =	sadd.s32 s4, s6;
	[dreg:$0x0] =	wrdreg $0x0  }
0xa9: {  	s6 =	sshll.u32 s28, $0x1;
	[dreg:$0x2] =	wrdreg s4  }
0xaa: {  	[dreg:$0x3] =	wrdreg s6  }
0xab: {  	[dreg:$0x4] =	wrdreg $0xC0  }
0xac: {  	_ =	task [dreg:s8], $0x5FFFF  }
0xad: {  	[dreg:$0x1] =	wrdreg $0xFFFFFFFF  }
0xae: {  	[dreg:$0x0] =	wrdreg $0x60  }
0xaf: {  	[dreg:$0x2] =	wrdreg s24  }
0xb0: {  	[dreg:$0x3] =	wrdreg s2  }
0xb1: {  	[dreg:$0x4] =	wrdreg s18  }
0xb2: {  	[dreg:$0x5] =	wrdreg $0x9  }
0xb3: {  	_ =	task.clear_ibuf [dreg:s8], $0x6FFFF;
	_ =	strace $0x90000046  }
0xb4: {  	s29 =	simm.s32 $0x9;
	_ =	strace $0x80000048  }
0xb5: {  	_ =	swait.ge [sflag:s29], $0x1  }
0xb6: {  	[sflag:s29] =	ssyncadd.s32 $0xFFFFFFFF  }
0xb7: {  	_ =	strace $0x90000048  }
0xb8: {  	_ =	sfence  }
0xb9: {  	s30 =	sld [smem:$0x0];
	_ =	sdelay $0x2  }
0xba: {  	s31 =	sshll.u32 s1, $0xD;
	s1 =	sshrl.u32 s1, $0x2  }
0xbb: {  	s3 =	sand.u32 $0x4000, s31;
	s1 =	sadd.s32 s1, s30  }
0xbc: {  	s0 =	sor.u32 s3, s0;
	s1 =	sshll.u32 s1, $0x11  }
0xbd: {  	s0 =	sor.u32 s1, s0  }
0xbe: {  	s0 =	sadd.s32 $0x8F2B, s0  }
0xbf: {  	[sflag:s0] =	ssyncadd.remote.s32 $0x1  }
0xc0: {  	_ =	sfence.sel $0xFFFF  }
0xc1: {  	[dreg:$0x0] =	wrdreg $0xFFFFFFFF;
	(pc) =	sbr.abs _section_cstart, $3  }
0xc2: {  	[dreg:$0x1] =	wrdreg $0xFFFFFFFF  }
0xc3: {  	_ =	task.clear_ibuf [dreg:s8], $0x2FFFF;
	_ =	strace $0x9FFFFFFF  }
0xc4: {  	(tm) =	ssettm $0x7FFFFFFF  }
0xc5: {  	_ =	shalt  }
tec
execute0_lowered:
.L_overlay_start_1:
0x0: {  	(tag) =	ssettag $0x1  }
0x1: {  	s0 =	rddreg [dreg:$0x0]  }
0x2: {  	s2 =	rddreg [dreg:$0x1];
	s1 =	srdreg.scid  }
0x3: {  	s9 =	stileid.u32;
	s10 =	rddreg [dreg:$0x2]  }
0x4: {  	s4 =	simm.s32 $0x0;
	s29 =	simm.s32 $0x1;
	s6 =	smul.u32 $0x190000, s9  }
0x5: {  	s1 =	sand.u32 $0x1, s1;
	s3 =	sshll.u32 s9, $0x1;
	s25 =	smul.u32 $0x32000, s9  }
0x6: {  	s30 =	simm.s32 $0x13400;
	s3 =	sor.u32 s1, s3;
	s8 =	smul.u32 $0xC8000, s1  }
0x7: {  	[smem:$0x7FF] =	sst s4;
	s9 =	simm.s32 $0x0;
	s5 =	smul.u32 $0x680, s3  }
0x8: {  	_ =	strace $0x80000047;
	s14 =	ssub.s32 $0x2, s1;
	s3 =	smul.u32 $0xC8000, s3  }
0x9: {  	s1 =	smul.u32 $0x19000, s1;
	s7 =	sshrl.u32 s14, $0x1;
	s18 =	sadd.s32 s8, s6  }
0xa: {  	s0 =	sadd.s32 s5, s0;
	s3 =	sshrl.u32 s3, $0x3;
	s5 =	ssub.s32 s14, s7  }
0xb: {  	s20 =	sadd.s32 $0xE000, s18;
	s21 =	sadd.s32 $0xC000, s18;
	s22 =	sadd.s32 $0xA000, s18  }
0xc: {  	s23 =	sadd.s32 $0x8000, s18;
	s24 =	sor.u32 $0x6000, s18;
	s6 =	sor.u32 $0x4000, s18  }
0xd: {  	s26 =	sor.u32 $0x2000, s18;
	s28 =	sadd.s32 $0x12000, s18;
	s31 =	sadd.s32 $0x10000, s18  }
0xe: {  	s0 =	sadd.s32 $0x400, s0;
	s15 =	sadd.s32 s10, s3;
	s16 =	smax.u32 s5, $0x1  }
0xf: {  	s12 =	sshrl.u32 s22, $0x3;
	s13 =	sshrl.u32 s23, $0x3;
	s14 =	sshrl.u32 s24, $0x3  }
0x10: {  	s18 =	sshrl.u32 s28, $0x3;
	s3 =	simm.s32 $0x3;
	[dreg:$0x4] =	wrdreg s0  }
0x11: {  	s5 =	simm.s32 $0x7;
	s22 =	simm.s32 $0x12;
	[dreg:$0x5] =	wrdreg s16  }
0x12: {  	s17 =	sadd.s32 $0x17400, s15;
	s19 =	sadd.s32 $0x17C00, s15;
	s0 =	sadd.s32 $0x18400, s15  }
0x13: {  	s15 =	sshrl.u32 s6, $0x3;
	s16 =	sshrl.u32 s26, $0x3;
	[dreg:$0x6] =	wrdreg s17  }
.Ltmp0:
0x14: {  	s6 =	simm.s32 $0x9;
	[dreg:$0x7] =	wrdreg s19;
	(pc) =	sbr.rel .LBB2_1-.Ltmp0, $4  }
0x15: {  	[dreg:$0x8] =	wrdreg s0;
	s0 =	sshrl.u32 s20, $0x3;
	s17 =	sadd.s32 s1, s25  }
0x16: {  	s19 =	sshrl.u32 s31, $0x3;
	s1 =	simm.s32 $0x2;
	s25 =	simm.s32 $0x5  }
0x17: {  	s20 =	simm.s32 $0xA;
	[dreg:$0x9] =	wrdreg s0;
	s0 =	sshrl.u32 s21, $0x3  }
0x18: {  	s21 =	simm.s32 $0x40;
	[dreg:$0xa] =	wrdreg s0;
	s0 =	simm.s32 $0x15400  }
.LBB2_4:
0x19: {  	s7 =	simm.s32 $0xB  }
0x1a: {  	_ =	swait.ge [sflag:s7], $0x2000  }
0x1b: {  	[sflag:s7] =	ssyncset.done $0x0  }
0x1c: {  	s9 =	simm.s32 $0xC;
	[sflag:s7] =	ssyncadd.s32 $0xFFFFE000  }
0x1d: {  	_ =	swait.ge [sflag:s9], $0x2000  }
0x1e: {  	[sflag:s9] =	ssyncset.done $0x0  }
0x1f: {  	s10 =	simm.s32 $0xD;
	[sflag:s9] =	ssyncadd.s32 $0xFFFFE000  }
0x20: {  	_ =	swait.ge [sflag:s10], $0x2000  }
0x21: {  	[sflag:s10] =	ssyncset.done $0x0  }
0x22: {  	s11 =	simm.s32 $0xE;
	[sflag:s10] =	ssyncadd.s32 $0xFFFFE000  }
0x23: {  	_ =	swait.ge [sflag:s11], $0x2000  }
0x24: {  	[sflag:s11] =	ssyncset.done $0x0  }
0x25: {  	s23 =	simm.s32 $0xF;
	[sflag:s11] =	ssyncadd.s32 $0xFFFFE000  }
0x26: {  	_ =	swait.ge [sflag:s23], $0x2000  }
0x27: {  	[sflag:s23] =	ssyncset.done $0x0  }
0x28: {  	s24 =	simm.s32 $0x10;
	[sflag:s23] =	ssyncadd.s32 $0xFFFFE000  }
0x29: {  	_ =	swait.ge [sflag:s24], $0x2000  }
0x2a: {  	[sflag:s24] =	ssyncset.done $0x0  }
0x2b: {  	s26 =	simm.s32 $0x11;
	[sflag:s24] =	ssyncadd.s32 $0xFFFFE000  }
0x2c: {  	_ =	swait.ge [sflag:s26], $0x2000  }
0x2d: {  	[sflag:s26] =	ssyncset.done $0x0  }
0x2e: {  	[sflag:s26] =	ssyncadd.s32 $0xFFFFE000  }
0x2f: {  	_ =	swait.ge [sflag:s22], $0x2000  }
0x30: {  	[sflag:s22] =	ssyncset.done $0x0  }
0x31: {  	s28 =	simm.s32 $0x13;
	[sflag:s22] =	ssyncadd.s32 $0xFFFFE000  }
0x32: {  	_ =	swait.ge [sflag:s28], $0x2000  }
0x33: {  	[sflag:s28] =	ssyncset.done $0x0  }
0x34: {  	s8 =	simm.s32 $0x14;
	[sflag:s28] =	ssyncadd.s32 $0xFFFFE000  }
0x35: {  	_ =	swait.ge [sflag:s8], $0x2000  }
0x36: {  	s9 =	rddreg [dreg:$0xb]  }
0x37: {  	s31 =	rddreg [dreg:$0x5];
	s9 =	sadd.s32 $0x1, s9  }
0x38: {  	p0 =	sne.s32 s9, s31  }
.Ltmp1:
0x39: {  	_ = 	snop;
	(pc) =	sbr.rel @!p0 .LBB2_5-.Ltmp1, $3  }
0x3a: {  	_ =	sdelay $0x1  }
0x3b: {  	[sflag:s8] =	ssyncset.done $0x0  }
0x3c: {  	[sflag:s8] =	ssyncadd.s32 $0xFFFFE000  }
.LBB2_1:
0x3d: {  	[dreg:$0xb] =	wrdreg s9  }
0x3e: {  	s7 =	rddreg [dreg:$0x4];
	s10 =	simm.s32 $0x15  }
0x3f: {  	[tilespmem:s4], [sflag:$0x15] =	stream.linear.gather [hbm4b:s7+s4], $0x3200, $0x38;
	[tilespmem:$0x17400] =	vst v63  }
0x40: {  	_ =	swait.ge [sflag:s10], $0x3200  }
0x41: {  	[sflag:s10] =	ssyncset.done $0x0  }
0x42: {  	s11 =	simm.s32 $0x3400;
	[sflag:s10] =	ssyncadd.s32 $0xFFFFCE00  }
0x43: {  	[tilespmem:s11], [sflag:$0x1] =	stream.indirect.gather [hbm4b:s2+s21], $0x80, s4, s21, $0xb8;
	[tilespmem:$0x17400] =	vst v63  }
0x44: {  	s23 =	simm.s32 $0x80;
	s8 =	simm.s32 $0x5400  }
0x45: {  	[tilespmem:s8], [sflag:$0x2] =	stream.indirect.gather [hbm4b:s2+s21], $0x80, s23, s21, $0xb8;
	[tilespmem:$0x17400] =	vst v63  }
0x46: {  	s24 =	simm.s32 $0x100;
	s26 =	simm.s32 $0x7400  }
0x47: {  	[tilespmem:s26], [sflag:$0x3] =	stream.indirect.gather [hbm4b:s2+s21], $0x80, s24, s21, $0xb8;
	[tilespmem:$0x17400] =	vst v63  }
0x48: {  	s28 =	simm.s32 $0x180;
	s31 =	simm.s32 $0x9400  }
0x49: {  	[tilespmem:s31], [sflag:$0x4] =	stream.indirect.gather [hbm4b:s2+s21], $0x80, s28, s21, $0xb8;
	[tilespmem:$0x17400] =	vst v63  }
0x4a: {  	s9 =	simm.s32 $0x200;
	s10 =	simm.s32 $0xB400  }
0x4b: {  	[tilespmem:s10], [sflag:$0x5] =	stream.indirect.gather [hbm4b:s2+s21], $0x80, s9, s21, $0xb8;
	[tilespmem:$0x17400] =	vst v63  }
0x4c: {  	s11 =	simm.s32 $0x280;
	s23 =	simm.s32 $0xD400  }
0x4d: {  	[tilespmem:s23], [sflag:$0x6] =	stream.indirect.gather [hbm4b:s2+s21], $0x80, s11, s21, $0xb8;
	[tilespmem:$0x17400] =	vst v63  }
0x4e: {  	s24 =	simm.s32 $0x300;
	s26 =	simm.s32 $0xF400;
	s28 =	simm.s32 $0x380  }
0x4f: {  	[tilespmem:s26], [sflag:$0x7] =	stream.indirect.gather [hbm4b:s2+s21], $0x80, s24, s21, $0xb8;
	[tilespmem:$0x17400] =	vst v63  }
0x50: {  	s31 =	simm.s32 $0x11400;
	s24 =	rddreg [dreg:$0x2];
	s26 =	simm.s32 $0x0  }
0x51: {  	[tilespmem:s31], [sflag:$0x8] =	stream.indirect.gather [hbm4b:s2+s21], $0x80, s28, s21, $0xb8;
	[tilespmem:$0x17400] =	vst v63  }
.LBB2_2:
0x52: {  	_ =	swait.ge [sflag:s29], $0x2000  }
0x53: {  	s7 =	sadd.s32 s24, s17;
	[sflag:s29] =	ssyncset.done $0x0  }
0x54: {  	s8 =	simm.s32 $0x3400;
	p0 =	seq.s32 s26, $0x0;
	[sflag:s29] =	ssyncadd.s32 $0xFFFFE000  }
0x55: {  	[hbm4b:s7+s4] =	stream.linear.scatter [tilespmem:s8], [sflag:$0xB], $0x2000, $0x38;
	[tilespmem:$0x17400] =	vst v63  }
0x56: {  	s7 =	simm.s32 @!p0 $0x13  }
0x57: {  	_ =	swait.ge @!p0 [sflag:s7], $0x2000  }
0x58: {  	s28 =	sshra.s32 s26, $0x2;
	[sflag:s7] =	ssyncset.done @!p0 $0x0  }
0x59: {  	s10 =	sadd.s32 $0x400, s28;
	[sflag:s7] =	ssyncadd.s32 @!p0 $0xFFFFE000  }
0x5a: {  	[tilespmem:s30], [sflag:$0x9] =	stream.indirect.gather [hbm4b:s2+s21], $0x80, s10, s21, $0xb8;
	[tilespmem:$0x17400] =	vst v63  }
0x5b: {  	_ =	swait.ge [sflag:s1], $0x2000  }
0x5c: {  	s11 =	sadd.s32 s24, s16;
	[sflag:s1] =	ssyncset.done $0x0  }
0x5d: {  	s23 =	simm.s32 $0x5400;
	s7 =	simm.s32 @!p0 $0x14;
	[sflag:s1] =	ssyncadd.s32 $0xFFFFE000  }
0x5e: {  	[hbm4b:s11+s4] =	stream.linear.scatter [tilespmem:s23], [sflag:$0xC], $0x2000, $0x38;
	[tilespmem:$0x17400] =	vst v63  }
0x5f: {  	_ =	swait.ge @!p0 [sflag:s7], $0x2000  }
0x60: {  	[sflag:s7] =	ssyncset.done @!p0 $0x0  }
0x61: {  	s31 =	sadd.s32 $0x480, s28;
	[sflag:s7] =	ssyncadd.s32 @!p0 $0xFFFFE000  }
0x62: {  	[tilespmem:s0], [sflag:$0xA] =	stream.indirect.gather [hbm4b:s2+s21], $0x80, s31, s21, $0xb8;
	[tilespmem:$0x17400] =	vst v63  }
0x63: {  	_ =	swait.ge [sflag:s3], $0x2000  }
0x64: {  	s9 =	simm.s32 $0x7400;
	p0 =	seq.s32 s26, $0xB400;
	[sflag:s3] =	ssyncset.done $0x0  }
0x65: {  	s8 =	sadd.s32 s24, s15;
	s7 =	simm.s32 @p0 $0x4;
	[sflag:s3] =	ssyncadd.s32 $0xFFFFE000  }
0x66: {  	[hbm4b:s8+s4] =	stream.linear.scatter [tilespmem:s9], [sflag:$0xD], $0x2000, $0x38;
	[tilespmem:$0x17400] =	vst v63  }
0x67: {  	_ =	swait.ge @p0 [sflag:s7], $0x2000  }
0x68: {  	s8 =	simm.s32 @p0 $0x9400;
	[sflag:s7] =	ssyncset.done @p0 $0x0  }
0x69: {  	s9 =	rddreg [dreg:$0x6];
	[sflag:s7] =	ssyncadd.s32 @p0 $0xFFFFE000;
	s7 =	simm.s32 @p0 $0x0  }
0x6a: {  	[hbm4b:s9+s7] =	stream.linear.scatter @p0 [tilespmem:s8], [sflag:$0xE], $0x2000, $0x38;
	[tilespmem:$0x17400] =	vst v63  }
0x6b: {  	s8 =	simm.s32 @!p0 $0xB  }
0x6c: {  	_ =	swait.ge @!p0 [sflag:s8], $0x2000  }
0x6d: {  	s31 =	sshra.s32 @!p0 s26, $0x2;
	s23 =	simm.s32 @!p0 $0x40;
	[sflag:s8] =	ssyncset.done @!p0 $0x0  }
0x6e: {  	s9 =	simm.s32 @!p0 $0x3400;
	[sflag:s8] =	ssyncadd.s32 @!p0 $0xFFFFE000;
	s8 =	sadd.s32 @!p0 $0x500, s31  }
0x6f: {  	[tilespmem:s9], [sflag:$0x1] =	stream.indirect.gather @!p0 [hbm4b:s2+s23], $0x80, s8, s23, $0xb8;
	[tilespmem:$0x17400] =	vst v63  }
0x70: {  	s8 =	simm.s32 @!p0 $0x4  }
0x71: {  	_ =	swait.ge @!p0 [sflag:s8], $0x2000  }
0x72: {  	s10 =	simm.s32 @!p0 $0x9400;
	[sflag:s8] =	ssyncset.done @!p0 $0x0  }
0x73: {  	s9 =	sadd.s32 @!p0 s24, s14;
	[sflag:s8] =	ssyncadd.s32 @!p0 $0xFFFFE000;
	s8 =	simm.s32 @!p0 $0x0  }
0x74: {  	[hbm4b:s9+s8] =	stream.linear.scatter @!p0 [tilespmem:s10], [sflag:$0xE], $0x2000, $0x38;
	[tilespmem:$0x17400] =	vst v63  }
0x75: {  	s9 =	simm.s32 @!p0 $0xC  }
0x76: {  	_ =	swait.ge @!p0 [sflag:s9], $0x2000  }
0x77: {  	[sflag:s9] =	ssyncset.done @!p0 $0x0  }
0x78: {  	s11 =	simm.s32 @!p0 $0x5400;
	[sflag:s9] =	ssyncadd.s32 @!p0 $0xFFFFE000;
	s9 =	sadd.s32 @!p0 $0x580, s31  }
0x79: {  	[tilespmem:s11], [sflag:$0x2] =	stream.indirect.gather @!p0 [hbm4b:s2+s23], $0x80, s9, s23, $0xb8;
	[tilespmem:$0x17400] =	vst v63  }
0x7a: {  	_ =	swait.ge [sflag:s25], $0x2000  }
0x7b: {  	[sflag:s25] =	ssyncset.done $0x0  }
0x7c: {  	s9 =	sadd.s32 s24, s13;
	s11 =	simm.s32 $0xB400;
	[sflag:s25] =	ssyncadd.s32 $0xFFFFE000  }
0x7d: {  	[hbm4b:s9+s4] =	stream.linear.scatter [tilespmem:s11], [sflag:$0xF], $0x2000, $0x38;
	[tilespmem:$0x17400] =	vst v63  }
0x7e: {  	s9 =	simm.s32 @p0 $0x6  }
0x7f: {  	_ =	swait.ge @p0 [sflag:s9], $0x2000  }
0x80: {  	[sflag:s9] =	ssyncset.done @p0 $0x0  }
0x81: {  	s11 =	rddreg [dreg:$0x7];
	[sflag:s9] =	ssyncadd.s32 @p0 $0xFFFFE000;
	s9 =	simm.s32 @p0 $0xD400  }
0x82: {  	[hbm4b:s11+s7] =	stream.linear.scatter @p0 [tilespmem:s9], [sflag:$0x10], $0x2000, $0x38;
	[tilespmem:$0x17400] =	vst v63  }
0x83: {  	s9 =	simm.s32 @!p0 $0xD  }
0x84: {  	_ =	swait.ge @!p0 [sflag:s9], $0x2000  }
0x85: {  	[sflag:s9] =	ssyncset.done @!p0 $0x0  }
0x86: {  	s11 =	simm.s32 @!p0 $0x7400;
	[sflag:s9] =	ssyncadd.s32 @!p0 $0xFFFFE000;
	s9 =	sadd.s32 @!p0 $0x600, s31  }
0x87: {  	[tilespmem:s11], [sflag:$0x3] =	stream.indirect.gather @!p0 [hbm4b:s2+s23], $0x80, s9, s23, $0xb8;
	[tilespmem:$0x17400] =	vst v63  }
0x88: {  	s9 =	simm.s32 @!p0 $0x6  }
0x89: {  	_ =	swait.ge @!p0 [sflag:s9], $0x2000  }
0x8a: {  	[sflag:s9] =	ssyncset.done @!p0 $0x0  }
0x8b: {  	s11 =	simm.s32 @!p0 $0xD400;
	[sflag:s9] =	ssyncadd.s32 @!p0 $0xFFFFE000;
	s9 =	sadd.s32 @!p0 s24, s12  }
0x8c: {  	[hbm4b:s9+s8] =	stream.linear.scatter @!p0 [tilespmem:s11], [sflag:$0x10], $0x2000, $0x38;
	[tilespmem:$0x17400] =	vst v63  }
0x8d: {  	s9 =	simm.s32 @!p0 $0xE  }
0x8e: {  	_ =	swait.ge @!p0 [sflag:s9], $0x2000  }
0x8f: {  	[sflag:s9] =	ssyncset.done @!p0 $0x0  }
0x90: {  	[sflag:s9] =	ssyncadd.s32 @!p0 $0xFFFFE000;
	s9 =	sadd.s32 @!p0 $0x680, s31  }
0x91: {  	[tilespmem:s10], [sflag:$0x4] =	stream.indirect.gather @!p0 [hbm4b:s2+s23], $0x80, s9, s23, $0xb8;
	[tilespmem:$0x17400] =	vst v63  }
0x92: {  	_ =	swait.ge [sflag:s5], $0x2000  }
0x93: {  	[sflag:s5] =	ssyncset.done $0x0;
	s10 =	rddreg [dreg:$0xa]  }
0x94: {  	[sflag:s5] =	ssyncadd.s32 $0xFFFFE000;
	s9 =	sadd.s32 s24, s10;
	s10 =	simm.s32 $0xF400  }
0x95: {  	[hbm4b:s9+s4] =	stream.linear.scatter [tilespmem:s10], [sflag:$0x11], $0x2000, $0x38;
	[tilespmem:$0x17400] =	vst v63  }
0x96: {  	s9 =	simm.s32 @p0 $0x8  }
0x97: {  	_ =	swait.ge @p0 [sflag:s9], $0x2000  }
0x98: {  	[sflag:s9] =	ssyncset.done @p0 $0x0  }
0x99: {  	s10 =	rddreg [dreg:$0x8];
	[sflag:s9] =	ssyncadd.s32 @p0 $0xFFFFE000;
	s9 =	simm.s32 @p0 $0x11400  }
0x9a: {  	[hbm4b:s10+s7] =	stream.linear.scatter @p0 [tilespmem:s9], [sflag:$0x12], $0x2000, $0x38;
	[tilespmem:$0x17400] =	vst v63  }
0x9b: {  	s7 =	simm.s32 @!p0 $0xF  }
0x9c: {  	_ =	swait.ge @!p0 [sflag:s7], $0x2000  }
0x9d: {  	[sflag:s7] =	ssyncset.done @!p0 $0x0  }
0x9e: {  	s9 =	simm.s32 @!p0 $0xB400;
	[sflag:s7] =	ssyncadd.s32 @!p0 $0xFFFFE000;
	s7 =	sadd.s32 @!p0 $0x700, s31  }
0x9f: {  	[tilespmem:s9], [sflag:$0x5] =	stream.indirect.gather @!p0 [hbm4b:s2+s23], $0x80, s7, s23, $0xb8;
	[tilespmem:$0x17400] =	vst v63  }
0xa0: {  	s7 =	simm.s32 @!p0 $0x8  }
0xa1: {  	_ =	swait.ge @!p0 [sflag:s7], $0x2000  }
0xa2: {  	[sflag:s7] =	ssyncset.done @!p0 $0x0  }
0xa3: {  	[sflag:s7] =	ssyncadd.s32 @!p0 $0xFFFFE000;
	s7 =	rddreg [dreg:$0x9]  }
0xa4: {  	s9 =	simm.s32 @!p0 $0x11400;
	s7 =	sadd.s32 @!p0 s24, s7  }
0xa5: {  	[hbm4b:s7+s8] =	stream.linear.scatter @!p0 [tilespmem:s9], [sflag:$0x12], $0x2000, $0x38;
	[tilespmem:$0x17400] =	vst v63  }
0xa6: {  	s7 =	simm.s32 @!p0 $0x10  }
0xa7: {  	_ =	swait.ge @!p0 [sflag:s7], $0x2000  }
0xa8: {  	[sflag:s7] =	ssyncset.done @!p0 $0x0  }
0xa9: {  	[sflag:s7] =	ssyncadd.s32 @!p0 $0xFFFFE000;
	s7 =	sadd.s32 @!p0 $0x780, s31  }
0xaa: {  	[tilespmem:s11], [sflag:$0x6] =	stream.indirect.gather @!p0 [hbm4b:s2+s23], $0x80, s7, s23, $0xb8;
	[tilespmem:$0x17400] =	vst v63  }
0xab: {  	_ =	swait.ge [sflag:s6], $0x2000  }
0xac: {  	[sflag:s6] =	ssyncset.done $0x0  }
0xad: {  	s11 =	sadd.s32 s24, s19;
	s7 =	simm.s32 @!p0 $0x11;
	[sflag:s6] =	ssyncadd.s32 $0xFFFFE000  }
0xae: {  	[hbm4b:s11+s4] =	stream.linear.scatter [tilespmem:s30], [sflag:$0x13], $0x2000, $0x38;
	[tilespmem:$0x17400] =	vst v63  }
0xaf: {  	_ =	swait.ge @!p0 [sflag:s7], $0x2000  }
0xb0: {  	[sflag:s7] =	ssyncset.done @!p0 $0x0  }
0xb1: {  	s8 =	simm.s32 @!p0 $0xF400;
	[sflag:s7] =	ssyncadd.s32 @!p0 $0xFFFFE000;
	s7 =	sadd.s32 @!p0 $0x800, s31  }
0xb2: {  	[tilespmem:s8], [sflag:$0x7] =	stream.indirect.gather @!p0 [hbm4b:s2+s23], $0x80, s7, s23, $0xb8;
	[tilespmem:$0x17400] =	vst v63  }
.Ltmp2:
0xb3: {  	_ = 	snop;
	(pc) =	sbr.rel @p0 .LBB2_4-.Ltmp2, $4  }
0xb4: {  	_ =	swait.ge [sflag:s20], $0x2000  }
0xb5: {  	[sflag:s20] =	ssyncset.done $0x0  }
0xb6: {  	s31 =	sadd.s32 s24, s18;
	[sflag:s20] =	ssyncadd.s32 $0xFFFFE000  }
0xb7: {  	[hbm4b:s31+s4] =	stream.linear.scatter [tilespmem:s0], [sflag:$0x14], $0x2000, $0x38;
	[tilespmem:$0x17400] =	vst v63  }
.Ltmp3:
0xb8: {  	(pc) =	sbr.rel .LBB2_2-.Ltmp3, $4  }
0xb9: {  	_ =	swait.ge [sflag:s22], $0x2000  }
0xba: {  	s7 =	sadd.s32 $0x880, s28;
	s8 =	simm.s32 $0x11400;
	[sflag:s22] =	ssyncset.done $0x0  }
0xbb: {  	s26 =	sadd.s32 $0x1400, s26;
	s24 =	sadd.s32 $0x2800, s24;
	[sflag:s22] =	ssyncadd.s32 $0xFFFFE000  }
0xbc: {  	[tilespmem:s8], [sflag:$0x8] =	stream.indirect.gather [hbm4b:s2+s21], $0x80, s7, s21, $0xb8;
	[tilespmem:$0x17400] =	vst v63  }
.LBB2_5:
0xbd: {  	_ =	sfence.sel $0x180000  }
0xbe: {  	[bflag:$0x0] =	sbarrier.arrive $0xFFFF  }
0xbf: {  	_ =	strace $0x90000047  }
0xc0: {  	s0 =	stileid.u32;
	[bflag:$0x2] =	sbarrier.arrive $0xFFFF  }
0xc1: {  	p0 =	sne.s32 s0, $0x0;
	s0 =	rddreg [dreg:$0x3]  }
0xc2: {  	s0 =	sadd.s32 @!p0 $0x100000, s0  }
0xc3: {  	[sflag:s0] =	ssyncadd.tile.s32 @!p0 $0x1;
	_ =	shalt  }
.Lfunc_end2:
_tile_overlayer_lowered:
.L_overlay_start_2:
0xc4: {  	(tag) =	ssettag $0x2  }
0xc5: {  	s0 =	rddreg [dreg:$0x0];
	s2 =	stileid.u32  }
0xc6: {  	s1 =	rddreg [dreg:$0x1];
	p0 =	sne.s32 s2, $0x0  }
0xc7: {  	s3 =	rddreg [dreg:$0x2];
	[bflag:$0x3] =	sbarrier.arrive $0xFFFF;
	s2 =	simm.s32 @!p0 $0x1C15  }
0xc8: {  	[timem:s3], [sflag:s2] =	dma.local @!p0 [hbm:s0], s1  }
0xc9: {  	s0 =	simm.s32 @!p0 $0x15  }
0xca: {  	_ =	swait.ge @!p0 [sflag:s0], s1  }
0xcb: {  	s1 =	ssub.s32 @!p0 $0x0, s1;
	[sflag:s0] =	ssyncset.done @!p0 $0x0  }
0xcc: {  	[sflag:s0] =	ssyncadd.s32 @!p0 s1  }
0xcd: {  	[bflag:$0x3] =	sbarrier.arrive $0xFFFF  }
0xce: {  	_ =	shalt  }

</sc_bundles>
